<compile_context>
chip_gen: v7x
topology: tpu7x:2x2x1
jax: 0.10.2.dev20260603
libtpu: 0.0.44.dev20260713+nightly
codegen_flags: <defaults>
</compile_context>

<pallas_src>
import functools

import jax
import jax.numpy as jnp
import numpy as np
from jax import lax
from jax.experimental import pallas as pl
from jax.experimental.pallas import tpu as pltpu
from jax.experimental.pallas import tpu_sc as plsc

ZERO = 1e-06
ETA_VAR = 1.0
SGLD_A, SGLD_B, SGLD_C = 0.01, 1.0, 0.55

_K2_HI, _K2_LO = 64467757, 2916123636


def _u32(v):
    return jnp.uint32(np.uint32(v))


def _threefry_bits(cnt):
    ks0 = _K2_HI
    ks1 = _K2_LO
    ks2 = ks0 ^ ks1 ^ 0x1BD11BDA
    x0 = jnp.full_like(cnt, _u32(ks0))
    x1 = cnt + _u32(ks1)
    rots = ((13, 15, 26, 6), (17, 29, 16, 24))
    keysched = ((ks1, ks2, 1), (ks2, ks0, 2), (ks0, ks1, 3),
                (ks1, ks2, 4), (ks2, ks0, 5))
    for i, (ka, kb, c) in enumerate(keysched):
        for r in rots[i % 2]:
            x0 = x0 + x1
            x1 = (x1 << _u32(r)) | (x1 >> _u32(32 - r))
            x1 = x1 ^ x0
        x0 = x0 + _u32(ka)
        x1 = x1 + _u32((kb + c) & 0xFFFFFFFF)
    return x0 ^ x1


def _sc_gather(phi, words2d):
    R, CH = words2d.shape
    Dm = phi.shape[1]
    B = R * CH
    info = plsc.get_sparse_core_info()
    NW = info.num_cores * info.num_subcores
    n_ch = R // NW
    mesh = plsc.VectorSubcoreMesh(core_axis_name="c", subcore_axis_name="s")

    @functools.partial(
        pl.kernel,
        mesh=mesh,
        compiler_params=pltpu.CompilerParams(use_tc_tiling_on_sc=False),
        out_type=jax.ShapeDtypeStruct((B, Dm), jnp.float32),
        scratch_types=[
            pltpu.VMEM((n_ch, CH), jnp.int32),
            pltpu.VMEM((CH, Dm), jnp.float32),
            pltpu.VMEM((CH, Dm), jnp.float32),
            pltpu.SemaphoreType.DMA,
            pltpu.SemaphoreType.DMA,
        ],
    )
    def k(idx_hbm, table_hbm, out_hbm, idx_v, rows_a, rows_b, sem_a, sem_b):
        wid = lax.axis_index("s") * info.num_cores + lax.axis_index("c")
        pltpu.sync_copy(idx_hbm.at[pl.ds(wid * n_ch, n_ch)], idx_v)
        obase = wid * n_ch * CH

        def gather(j, buf, sem):
            return pltpu.make_async_copy(table_hbm.at[idx_v.at[j]], buf, sem)

        gather(0, rows_a, sem_a).start()

        def body(t, _):
            j0 = 2 * t
            j1 = j0 + 1
            gather(j1, rows_b, sem_b).start()
            gather(j0, rows_a, sem_a).wait()
            pltpu.sync_copy(rows_a, out_hbm.at[pl.ds(obase + j0 * CH, CH)])

            @pl.when(j0 + 2 < n_ch)
            def _():
                gather(j0 + 2, rows_a, sem_a).start()

            gather(j1, rows_b, sem_b).wait()
            pltpu.sync_copy(rows_b, out_hbm.at[pl.ds(obase + j1 * CH, CH)])
            return 0

        lax.fori_loop(0, n_ch // 2, body, 0)
        if n_ch % 2:
            j = n_ch - 1
            gather(j, rows_a, sem_a).wait()
            pltpu.sync_copy(rows_a, out_hbm.at[pl.ds(obase + j * CH, CH)])

    return k(words2d, phi)


def _tc_main(eta, alpha2d, CDK, xi, phi_w2):
    D, K = eta.shape
    NH = 100
    N = 2 * NH
    BD = 64
    eps = SGLD_A * (SGLD_B + 0.0) ** (-SGLD_C)
    eps_half = np.float32(eps / 2.0)

    def body(eta_ref, alpha_ref, cdk_ref, xi_ref, phiw_ref,
             za_ref, zb_ref, probs_ref, etan_ref, cdkn_ref):
        i = pl.program_id(0)
        eta_b = eta_ref[...]
        m = jnp.max(eta_b, axis=-1, keepdims=True)
        ex = jnp.exp(eta_b - m)
        sm = ex / jnp.sum(ex, axis=-1, keepdims=True)
        prior = (alpha_ref[...] - eta_b) / np.float32(ETA_VAR)
        grad = cdk_ref[...] - np.float32(N) * sm
        eta_new = eta_b + eps_half * (prior + grad) + xi_ref[...]
        etan_ref[...] = eta_new

        eta2 = jnp.concatenate([eta_new, eta_new], axis=-1)
        pw = phiw_ref[...].reshape(BD, NH, 128)
        logits = eta2[:, None, :] + pw

        p = jnp.maximum(jnp.exp(jnp.clip(logits, -700.0, 700.0)),
                        np.float32(ZERO))
        sa = jnp.sum(p[:, :, :K], axis=-1, keepdims=True)
        sb = jnp.sum(p[:, :, K:], axis=-1, keepdims=True)
        denom = jnp.concatenate(
            [jnp.broadcast_to(sa, (BD, NH, K)),
             jnp.broadcast_to(sb, (BD, NH, K))], axis=-1)
        probs_ref[...] = (p / denom).reshape(BD * NH, 128)

        jrow = (lax.broadcasted_iota(jnp.int32, (BD, NH, 128), 0) * NH
                + lax.broadcasted_iota(jnp.int32, (BD, NH, 128), 1))
        jl = lax.broadcasted_iota(jnp.int32, (BD, NH, 128), 2)
        cnt = ((i * (BD * NH * 128)) + jrow * 128 + jl).astype(jnp.uint32)
        bits = _threefry_bits(cnt)
        fb = lax.bitcast_convert_type(
            (bits >> _u32(9)) | _u32(0x3F800000), jnp.float32
        ) - np.float32(1.0)
        u = jnp.maximum(
            np.float32(1e-9),
            fb * (np.float32(1.0) - np.float32(1e-9)) + np.float32(1e-9),
        )
        gm = logits - jnp.log(-jnp.log(u))
        ma = jnp.max(gm[:, :, :K], axis=-1, keepdims=True)
        mb = jnp.max(gm[:, :, K:], axis=-1, keepdims=True)
        mc = jnp.concatenate(
            [jnp.broadcast_to(ma, (BD, NH, K)),
             jnp.broadcast_to(mb, (BD, NH, K))], axis=-1)
        kio = jnp.bitwise_and(jl, 63)
        cand = jnp.where(gm == mc, kio, K)
        za = jnp.min(cand[:, :, :K], axis=-1)
        zb = jnp.min(cand[:, :, K:], axis=-1)
        za_ref[...] = za
        zb_ref[...] = zb
        kio64 = lax.broadcasted_iota(jnp.int32, (BD, NH, K), 2)
        oh = ((za[:, :, None] == kio64).astype(jnp.float32)
              + (zb[:, :, None] == kio64).astype(jnp.float32))
        cdkn_ref[...] = jnp.sum(oh, axis=1)

    grid = D // BD
    return pl.pallas_call(
        body,
        grid=(grid,),
        in_specs=[
            pl.BlockSpec((BD, K), lambda i: (i, 0)),
            pl.BlockSpec((1, K), lambda i: (0, 0)),
            pl.BlockSpec((BD, K), lambda i: (i, 0)),
            pl.BlockSpec((BD, 1), lambda i: (i, 0)),
            pl.BlockSpec((BD * NH, 128), lambda i: (i, 0)),
        ],
        out_specs=[
            pl.BlockSpec((BD, NH), lambda i: (i, 0)),
            pl.BlockSpec((BD, NH), lambda i: (i, 0)),
            pl.BlockSpec((BD * NH, 128), lambda i: (i, 0)),
            pl.BlockSpec((BD, K), lambda i: (i, 0)),
            pl.BlockSpec((BD, K), lambda i: (i, 0)),
        ],
        out_shape=[
            jax.ShapeDtypeStruct((D, NH), jnp.int32),
            jax.ShapeDtypeStruct((D, NH), jnp.int32),
            jax.ShapeDtypeStruct((D * NH, 128), jnp.float32),
            jax.ShapeDtypeStruct((D, K), jnp.float32),
            jax.ShapeDtypeStruct((D, K), jnp.float32),
        ],
    )(eta, alpha2d, CDK, xi, phi_w2)


def kernel(eta, alpha, CDK, phi, words):
    D, K = eta.shape
    N = words.shape[1]
    eps = SGLD_A * (SGLD_B + 0.0) ** (-SGLD_C)
    k1 = jax.random.split(jax.random.key(42))[0]
    xi = jax.random.normal(k1, (D, 1), dtype=eta.dtype) * eps

    words2d = words.reshape((D * N) // 128, 128)
    phi_w2 = _sc_gather(phi, words2d).reshape((D * N * K) // 128, 128)

    za, zb, probs2, eta_new, CDK_new = _tc_main(
        eta, alpha.reshape(1, K), CDK, xi, phi_w2
    )
    new_Z = jnp.stack([za, zb], axis=-1).reshape(D, N)
    probs = probs2.reshape(D, N, K)
    return new_Z, probs, eta_new, CDK_new

# --- scband reference (transcript-rebuilt; emitter-appended) ---
"""Pipeline reference for scband-dtmjax-52278341927439 (READ-ONLY COPY).

The authoritative reference and input builder live on the scoring server;
editing this copy changes nothing except your own understanding.
"""

import jax, jax.numpy as jnp
import numpy as np

ZERO = 1e-06
ETA_VAR = 1.0
SGLD_A, SGLD_B, SGLD_C = 0.01, 1.0, 0.55


def jax_exp(x):
    return jnp.clip(jnp.exp(jnp.clip(x, -700.0, 700.0)), ZERO)


def setup_inputs(seed: int = 0) -> dict:
    key = jax.random.key(seed)
    ks = jax.random.split(key, 5)
    D, K, V, N = 1024, 64, 100000, 200
    eta = jax.random.normal(ks[0], (D, K), dtype=jnp.float32)
    alpha = jax.random.normal(ks[1], (K,), dtype=jnp.float32)
    CDK = jax.random.uniform(ks[2], (D, K), dtype=jnp.float32)
    phi = jax.random.normal(ks[3], (V, K), dtype=jnp.float32)
    words = jax.random.randint(ks[4], (D, N), 0, V)
    return {"eta": eta, "alpha": alpha, "CDK": CDK, "phi": phi, "words": words}


def reference(eta, alpha, CDK, phi, words):
    # One DTM collapsed-sampling step at a fixed time slice t, vectorized
    # over documents and words (faithful to DTMJax.estimate's per-doc SGLD
    # eta update followed by per-word topic resampling).
    D, K = eta.shape
    N = words.shape[1]
    eps = SGLD_A * (SGLD_B + 0.0) ** (-SGLD_C)  # SGLD step size at iter 0
    key = jax.random.key(42)
    k1, k2 = jax.random.split(key)
    # SGLD update of eta (per-document scalar noise broadcast over K, as in xi_vec)
    xi = jax.random.normal(k1, (D, 1), dtype=eta.dtype) * eps
    prior_eta = (alpha[None, :] - eta) / ETA_VAR
    grad_eta = CDK - N * jax.nn.softmax(eta, axis=-1)
    eta_new = eta + eps / 2.0 * (prior_eta + grad_eta) + xi
    # Per-word topic distribution: p(z=k | w, d) \propto exp(eta[d,k]) * exp(phi[w,k])
    phi_w = jnp.take(phi, words, axis=0)  # [D, N, K] gather (memory-bound)
    logits = eta_new[:, None, :] + phi_w
    probs = jax_exp(logits)
    probs = probs / jnp.sum(probs, axis=-1, keepdims=True)
    # Gumbel-max categorical sampling of new topic assignments Z
    u = jax.random.uniform(k2, logits.shape, minval=1e-9, maxval=1.0)
    g = -jnp.log(-jnp.log(u))
    new_Z = jnp.argmax(logits + g, axis=-1)
    # Updated counters from resampled assignments
    CDK_new = jax.nn.one_hot(new_Z, K, dtype=eta.dtype).sum(axis=1)  # [D, K]
    return new_Z, probs, eta_new, CDK_new

if __name__ == "__main__":
    import jax
    _d = setup_inputs()
    print(jax.jit(kernel)(*tuple(_d.values())))

</pallas_src>

<mosaic_0001>
#map = affine_map<(d0, d1) -> (0, 0)>
module attributes {stable_mosaic.version = 14 : i64} {
  func.func @k(%arg0: i32, %arg1: i32, %arg2: memref<1600x128xi32, #tpu.memory_space<hbm>>, %arg3: memref<100000x64xf32, #tpu.memory_space<hbm>>, %arg4: memref<204800x64xf32, #tpu.memory_space<hbm>>, %arg5: memref<50x128xi32, #tpu.memory_space<vmem>>, %arg6: memref<128x64xf32, #tpu.memory_space<vmem>>, %arg7: memref<128x64xf32, #tpu.memory_space<vmem>>, %arg8: memref<!tpu.dma_semaphore, #tpu.memory_space<semaphore_mem>>, %arg9: memref<!tpu.dma_semaphore, #tpu.memory_space<semaphore_mem>>) attributes {dimension_semantics = [#tpu.dimension_semantics<core_parallel>, #tpu.dimension_semantics<subcore_parallel>], iteration_bounds = array<i64: 2, 16>, scalar_prefetch = 0 : i64, scratch_operands = 5 : i64, tpu.core_type = #tpu.core_type<sc_vector_subcore>, window_params = [{transform_indices = #map}, {transform_indices = #map}, {transform_indices = #map}]} {
    %mul3A = arith.constant 2 : i32
    %mul3A_0 = arith.muli %arg1, %mul3A : i32
    %add3A = arith.addi %mul3A_0, %arg0 : i32
    %mul3A_1 = arith.constant 50 : i32
    %mul3A_2 = arith.muli %add3A, %mul3A_1 : i32
    "tpu.region"() ({
      %run_scoped3A = tpu.sem_alloc : memref<!tpu.dma_semaphore, #tpu.memory_space<semaphore_mem>>
      %dma_start3A_19 = arith.constant 0 : i32
      %dma_start3A_20 = tpu.memref_slice %arg2[%mul3A_2, %dma_start3A_19] : memref<1600x128xi32, #tpu.memory_space<hbm>> -> memref<50x128xi32, #tpu.memory_space<hbm>>
      %dma_start3A_21 = arith.constant 0 : i32
      %dma_start3A_22 = tpu.memref_slice %arg2[%mul3A_2, %dma_start3A_21] : memref<1600x128xi32, #tpu.memory_space<hbm>> -> memref<50x128xi32, #tpu.memory_space<hbm>>
      tpu.enqueue_dma source(%dma_start3A_22 : memref<50x128xi32, #tpu.memory_space<hbm>>) target(%arg5 : memref<50x128xi32, #tpu.memory_space<vmem>>) target_semaphore(%run_scoped3A : memref<!tpu.dma_semaphore, #tpu.memory_space<semaphore_mem>>)
      %dma_wait3A = arith.constant 0 : i32
      %dma_wait3A_23 = tpu.memref_slice %arg2[%mul3A_2, %dma_wait3A] : memref<1600x128xi32, #tpu.memory_space<hbm>> -> memref<50x128xi32, #tpu.memory_space<hbm>>
      %dma_wait3A_24 = arith.constant 0 : i32
      %dma_wait3A_25 = tpu.memref_slice %arg2[%mul3A_2, %dma_wait3A_24] : memref<1600x128xi32, #tpu.memory_space<hbm>> -> memref<50x128xi32, #tpu.memory_space<hbm>>
      tpu.wait_dma2 semaphore(%run_scoped3A : memref<!tpu.dma_semaphore, #tpu.memory_space<semaphore_mem>>) src(%dma_wait3A_25 : memref<50x128xi32, #tpu.memory_space<hbm>>) dst(%arg5 : memref<50x128xi32, #tpu.memory_space<vmem>>)
      tpu.yield
    }) : () -> ()
    %mul3A_3 = arith.constant 50 : i32
    %mul3A_4 = arith.muli %add3A, %mul3A_3 : i32
    %mul3A_5 = arith.constant 128 : i32
    %mul3A_6 = arith.muli %mul3A_4, %mul3A_5 : i32
    %dma_start3A = arith.constant 0 : i32
    %dma_start3A_7 = arith.constant 0 : i32
    %dma_start3A_8 = tpu.memref_slice %arg5[%dma_start3A, %dma_start3A_7] : memref<50x128xi32, #tpu.memory_space<vmem>> -> memref<1x128xi32, #tpu.memory_space<vmem>>
    %dma_start3A_9 = tpu.memref_squeeze %dma_start3A_8 : memref<1x128xi32, #tpu.memory_space<vmem>> -> memref<128xi32, #tpu.memory_space<vmem>>
    %dma_start3A_10 = arith.constant 0 : i32
    %dma_start3A_11 = arith.constant 0 : i32
    %dma_start3A_12 = tpu.memref_slice %arg3[%dma_start3A_10, %dma_start3A_11] : memref<100000x64xf32, #tpu.memory_space<hbm>> -> memref<100000x64xf32, #tpu.memory_space<hbm>>
    tpu.enqueue_indirect_dma source(%dma_start3A_12 : memref<100000x64xf32, #tpu.memory_space<hbm>>) target(%arg6 : memref<128x64xf32, #tpu.memory_space<vmem>>) offsets(%dma_start3A_9 : memref<128xi32, #tpu.memory_space<vmem>>) semaphore(%arg8 : memref<!tpu.dma_semaphore, #tpu.memory_space<semaphore_mem>>)
    %scan3A = arith.constant 0 : i32
    %scan3A_13 = arith.constant 0 : i32
    %scan3A_14 = arith.constant 25 : i32
    %scan3A_15 = arith.addi %scan3A_13, %scan3A_14 : i32
    %scan3A_16 = arith.constant 1 : i32
    %scan3A_17 = scf.for %scan3A_19 = %scan3A_13 to %scan3A_15 step %scan3A_16 iter_args(%scan3A_20 = %scan3A) -> (i32)  : i32 {
      %mul3A_21 = arith.constant 2 : i32
      %mul3A_22 = arith.muli %mul3A_21, %scan3A_19 : i32
      %add3A_23 = arith.constant 1 : i32
      %add3A_24 = arith.addi %mul3A_22, %add3A_23 : i32
      %dma_start3A_25 = arith.constant 0 : i32
      %dma_start3A_26 = tpu.memref_slice %arg5[%add3A_24, %dma_start3A_25] : memref<50x128xi32, #tpu.memory_space<vmem>> -> memref<1x128xi32, #tpu.memory_space<vmem>>
      %dma_start3A_27 = tpu.memref_squeeze %dma_start3A_26 : memref<1x128xi32, #tpu.memory_space<vmem>> -> memref<128xi32, #tpu.memory_space<vmem>>
      %dma_start3A_28 = arith.constant 0 : i32
      %dma_start3A_29 = arith.constant 0 : i32
      %dma_start3A_30 = tpu.memref_slice %arg3[%dma_start3A_28, %dma_start3A_29] : memref<100000x64xf32, #tpu.memory_space<hbm>> -> memref<100000x64xf32, #tpu.memory_space<hbm>>
      tpu.enqueue_indirect_dma source(%dma_start3A_30 : memref<100000x64xf32, #tpu.memory_space<hbm>>) target(%arg7 : memref<128x64xf32, #tpu.memory_space<vmem>>) offsets(%dma_start3A_27 : memref<128xi32, #tpu.memory_space<vmem>>) semaphore(%arg9 : memref<!tpu.dma_semaphore, #tpu.memory_space<semaphore_mem>>)
      %dma_wait3A = arith.constant 0 : i32
      %dma_wait3A_31 = tpu.memref_slice %arg5[%mul3A_22, %dma_wait3A] : memref<50x128xi32, #tpu.memory_space<vmem>> -> memref<1x128xi32, #tpu.memory_space<vmem>>
      %dma_wait3A_32 = tpu.memref_squeeze %dma_wait3A_31 : memref<1x128xi32, #tpu.memory_space<vmem>> -> memref<128xi32, #tpu.memory_space<vmem>>
      %dma_wait3A_33 = arith.constant 0 : i32
      %dma_wait3A_34 = arith.constant 0 : i32
      %dma_wait3A_35 = tpu.memref_slice %arg3[%dma_wait3A_33, %dma_wait3A_34] : memref<100000x64xf32, #tpu.memory_space<hbm>> -> memref<100000x64xf32, #tpu.memory_space<hbm>>
      tpu.wait_indirect_dma semaphore(%arg8 : memref<!tpu.dma_semaphore, #tpu.memory_space<semaphore_mem>>) src(%dma_wait3A_35 : memref<100000x64xf32, #tpu.memory_space<hbm>>) dst(%arg6 : memref<128x64xf32, #tpu.memory_space<vmem>>)
      %mul3A_36 = arith.constant 128 : i32
      %mul3A_37 = arith.muli %mul3A_22, %mul3A_36 : i32
      %add3A_38 = arith.addi %mul3A_6, %mul3A_37 : i32
      "tpu.region"() ({
        %run_scoped3A = tpu.sem_alloc : memref<!tpu.dma_semaphore, #tpu.memory_space<semaphore_mem>>
        %dma_start3A_53 = arith.constant 0 : i32
        %dma_start3A_54 = tpu.memref_slice %arg4[%add3A_38, %dma_start3A_53] : memref<204800x64xf32, #tpu.memory_space<hbm>> -> memref<128x64xf32, #tpu.memory_space<hbm>>
        %dma_start3A_55 = arith.constant 0 : i32
        %dma_start3A_56 = tpu.memref_slice %arg4[%add3A_38, %dma_start3A_55] : memref<204800x64xf32, #tpu.memory_space<hbm>> -> memref<128x64xf32, #tpu.memory_space<hbm>>
        tpu.enqueue_dma source(%arg6 : memref<128x64xf32, #tpu.memory_space<vmem>>) target(%dma_start3A_56 : memref<128x64xf32, #tpu.memory_space<hbm>>) target_semaphore(%run_scoped3A : memref<!tpu.dma_semaphore, #tpu.memory_space<semaphore_mem>>)
        %dma_wait3A_57 = arith.constant 0 : i32
        %dma_wait3A_58 = tpu.memref_slice %arg4[%add3A_38, %dma_wait3A_57] : memref<204800x64xf32, #tpu.memory_space<hbm>> -> memref<128x64xf32, #tpu.memory_space<hbm>>
        %dma_wait3A_59 = arith.constant 0 : i32
        %dma_wait3A_60 = tpu.memref_slice %arg4[%add3A_38, %dma_wait3A_59] : memref<204800x64xf32, #tpu.memory_space<hbm>> -> memref<128x64xf32, #tpu.memory_space<hbm>>
        tpu.wait_dma2 semaphore(%run_scoped3A : memref<!tpu.dma_semaphore, #tpu.memory_space<semaphore_mem>>) src(%arg6 : memref<128x64xf32, #tpu.memory_space<vmem>>) dst(%dma_wait3A_60 : memref<128x64xf32, #tpu.memory_space<hbm>>)
        tpu.yield
      }) : () -> ()
      %add3A_39 = arith.constant 2 : i32
      %add3A_40 = arith.addi %mul3A_22, %add3A_39 : i32
      %lt3A = arith.constant 50 : i32
      %lt3A_41 = arith.cmpi slt, %add3A_40, %lt3A : i32
      %convert_element_type3A = arith.extui %lt3A_41 : i1 to i32
      %cond3A = arith.constant 0 : i32
      %cond3A_42 = arith.cmpi ne, %convert_element_type3A, %cond3A : i32
      scf.if %cond3A_42 {
        %add3A_53 = arith.constant 2 : i32
        %add3A_54 = arith.addi %mul3A_22, %add3A_53 : i32
        %dma_start3A_55 = arith.constant 0 : i32
        %dma_start3A_56 = tpu.memref_slice %arg5[%add3A_54, %dma_start3A_55] : memref<50x128xi32, #tpu.memory_space<vmem>> -> memref<1x128xi32, #tpu.memory_space<vmem>>
        %dma_start3A_57 = tpu.memref_squeeze %dma_start3A_56 : memref<1x128xi32, #tpu.memory_space<vmem>> -> memref<128xi32, #tpu.memory_space<vmem>>
        %dma_start3A_58 = arith.constant 0 : i32
        %dma_start3A_59 = arith.constant 0 : i32
        %dma_start3A_60 = tpu.memref_slice %arg3[%dma_start3A_58, %dma_start3A_59] : memref<100000x64xf32, #tpu.memory_space<hbm>> -> memref<100000x64xf32, #tpu.memory_space<hbm>>
        tpu.enqueue_indirect_dma source(%dma_start3A_60 : memref<100000x64xf32, #tpu.memory_space<hbm>>) target(%arg6 : memref<128x64xf32, #tpu.memory_space<vmem>>) offsets(%dma_start3A_57 : memref<128xi32, #tpu.memory_space<vmem>>) semaphore(%arg8 : memref<!tpu.dma_semaphore, #tpu.memory_space<semaphore_mem>>)
      } else {
      }
      %dma_wait3A_43 = arith.constant 0 : i32
      %dma_wait3A_44 = tpu.memref_slice %arg5[%add3A_24, %dma_wait3A_43] : memref<50x128xi32, #tpu.memory_space<vmem>> -> memref<1x128xi32, #tpu.memory_space<vmem>>
      %dma_wait3A_45 = tpu.memref_squeeze %dma_wait3A_44 : memref<1x128xi32, #tpu.memory_space<vmem>> -> memref<128xi32, #tpu.memory_space<vmem>>
      %dma_wait3A_46 = arith.constant 0 : i32
      %dma_wait3A_47 = arith.constant 0 : i32
      %dma_wait3A_48 = tpu.memref_slice %arg3[%dma_wait3A_46, %dma_wait3A_47] : memref<100000x64xf32, #tpu.memory_space<hbm>> -> memref<100000x64xf32, #tpu.memory_space<hbm>>
      tpu.wait_indirect_dma semaphore(%arg9 : memref<!tpu.dma_semaphore, #tpu.memory_space<semaphore_mem>>) src(%dma_wait3A_48 : memref<100000x64xf32, #tpu.memory_space<hbm>>) dst(%arg7 : memref<128x64xf32, #tpu.memory_space<vmem>>)
      %mul3A_49 = arith.constant 128 : i32
      %mul3A_50 = arith.muli %add3A_24, %mul3A_49 : i32
      %add3A_51 = arith.addi %mul3A_6, %mul3A_50 : i32
      "tpu.region"() ({
        %run_scoped3A = tpu.sem_alloc : memref<!tpu.dma_semaphore, #tpu.memory_space<semaphore_mem>>
        %dma_start3A_53 = arith.constant 0 : i32
        %dma_start3A_54 = tpu.memref_slice %arg4[%add3A_51, %dma_start3A_53] : memref<204800x64xf32, #tpu.memory_space<hbm>> -> memref<128x64xf32, #tpu.memory_space<hbm>>
        %dma_start3A_55 = arith.constant 0 : i32
        %dma_start3A_56 = tpu.memref_slice %arg4[%add3A_51, %dma_start3A_55] : memref<204800x64xf32, #tpu.memory_space<hbm>> -> memref<128x64xf32, #tpu.memory_space<hbm>>
        tpu.enqueue_dma source(%arg7 : memref<128x64xf32, #tpu.memory_space<vmem>>) target(%dma_start3A_56 : memref<128x64xf32, #tpu.memory_space<hbm>>) target_semaphore(%run_scoped3A : memref<!tpu.dma_semaphore, #tpu.memory_space<semaphore_mem>>)
        %dma_wait3A_57 = arith.constant 0 : i32
        %dma_wait3A_58 = tpu.memref_slice %arg4[%add3A_51, %dma_wait3A_57] : memref<204800x64xf32, #tpu.memory_space<hbm>> -> memref<128x64xf32, #tpu.memory_space<hbm>>
        %dma_wait3A_59 = arith.constant 0 : i32
        %dma_wait3A_60 = tpu.memref_slice %arg4[%add3A_51, %dma_wait3A_59] : memref<204800x64xf32, #tpu.memory_space<hbm>> -> memref<128x64xf32, #tpu.memory_space<hbm>>
        tpu.wait_dma2 semaphore(%run_scoped3A : memref<!tpu.dma_semaphore, #tpu.memory_space<semaphore_mem>>) src(%arg7 : memref<128x64xf32, #tpu.memory_space<vmem>>) dst(%dma_wait3A_60 : memref<128x64xf32, #tpu.memory_space<hbm>>)
        tpu.yield
      }) : () -> ()
      %scan3A_52 = arith.constant 0 : i32
      scf.yield %scan3A_52 : i32
    }
    %scan3A_18 = arith.constant 25 : i32
    return
  }
}

module attributes {stable_mosaic.version = 14 : i64} {
  func.func @body(%arg0: i32, %arg1: memref<64x64xf32, #tpu.memory_space<vmem>>, %arg2: memref<1x64xf32, #tpu.memory_space<vmem>>, %arg3: memref<64x64xf32, #tpu.memory_space<vmem>>, %arg4: memref<64x1xf32, #tpu.memory_space<vmem>>, %arg5: memref<6400x128xf32, #tpu.memory_space<vmem>>, %arg6: memref<64x100xi32, #tpu.memory_space<vmem>>, %arg7: memref<64x100xi32, #tpu.memory_space<vmem>>, %arg8: memref<6400x128xf32, #tpu.memory_space<vmem>>, %arg9: memref<64x64xf32, #tpu.memory_space<vmem>>, %arg10: memref<64x64xf32, #tpu.memory_space<vmem>>) attributes {dimension_semantics = [#tpu.dimension_semantics<arbitrary>], iteration_bounds = array<i64: 16>, scalar_prefetch = 0 : i64, scratch_operands = 0 : i64, tpu.core_type = #tpu.core_type<tc>, window_params = [{transform_indices = @transform_0, window_bounds = array<i64: 64, 64>}, {pipeline_mode = #tpu.pipeline_mode<synchronous>, transform_indices = @transform_1, window_bounds = array<i64: 1, 64>}, {transform_indices = @transform_2, window_bounds = array<i64: 64, 64>}, {transform_indices = @transform_3, window_bounds = array<i64: 64, 1>}, {transform_indices = @transform_4, window_bounds = array<i64: 6400, 128>}, {transform_indices = @transform_5, window_bounds = array<i64: 64, 100>}, {transform_indices = @transform_6, window_bounds = array<i64: 64, 100>}, {transform_indices = @transform_7, window_bounds = array<i64: 6400, 128>}, {transform_indices = @transform_8, window_bounds = array<i64: 64, 64>}, {transform_indices = @transform_9, window_bounds = array<i64: 64, 64>}]} {
    %get3A = arith.constant 0 : index
    %get3A_0 = arith.constant 0 : index
    %get3A_1 = vector.load %arg1[%get3A, %get3A_0] : memref<64x64xf32, #tpu.memory_space<vmem>>, vector<64x64xf32>
    %reduce_max3A = arith.constant dense<0xFF800000> : vector<64xf32>
    %reduce_max3A_2 = vector.multi_reduction <maximumf>, %get3A_1, %reduce_max3A [1] : vector<64x64xf32> to vector<64xf32>
    %broadcast_in_dim3A = vector.shape_cast %reduce_max3A_2 : vector<64xf32> to vector<64x1xf32>
    %sub3A = vector.broadcast %broadcast_in_dim3A : vector<64x1xf32> to vector<64x64xf32>
    %sub3A_3 = arith.subf %get3A_1, %sub3A : vector<64x64xf32>
    %exp3A = math.exp %sub3A_3 : vector<64x64xf32>
    %reduce_sum3A = arith.constant dense<0.000000e+00> : vector<64xf32>
    %reduce_sum3A_4 = vector.multi_reduction <add>, %exp3A, %reduce_sum3A [1] : vector<64x64xf32> to vector<64xf32>
    %broadcast_in_dim3A_5 = vector.shape_cast %reduce_sum3A_4 : vector<64xf32> to vector<64x1xf32>
    %div3A = vector.broadcast %broadcast_in_dim3A_5 : vector<64x1xf32> to vector<64x64xf32>
    %div3A_6 = arith.divf %exp3A, %div3A : vector<64x64xf32>
    %get3A_7 = arith.constant 0 : index
    %get3A_8 = arith.constant 0 : index
    %get3A_9 = vector.load %arg2[%get3A_7, %get3A_8] : memref<1x64xf32, #tpu.memory_space<vmem>>, vector<1x64xf32>
    %sub3A_10 = vector.broadcast %get3A_9 : vector<1x64xf32> to vector<64x64xf32>
    %sub3A_11 = arith.subf %sub3A_10, %get3A_1 : vector<64x64xf32>
    %div3A_12 = arith.constant 1.000000e+00 : f32
    %div3A_13 = vector.broadcast %div3A_12 : f32 to vector<64x64xf32>
    %div3A_14 = arith.divf %sub3A_11, %div3A_13 : vector<64x64xf32>
    %get3A_15 = arith.constant 0 : index
    %get3A_16 = arith.constant 0 : index
    %get3A_17 = vector.load %arg3[%get3A_15, %get3A_16] : memref<64x64xf32, #tpu.memory_space<vmem>>, vector<64x64xf32>
    %mul3A = arith.constant 2.000000e+02 : f32
    %mul3A_18 = vector.broadcast %mul3A : f32 to vector<64x64xf32>
    %mul3A_19 = arith.mulf %mul3A_18, %div3A_6 : vector<64x64xf32>
    %sub3A_20 = arith.subf %get3A_17, %mul3A_19 : vector<64x64xf32>
    %add3A = arith.addf %div3A_14, %sub3A_20 : vector<64x64xf32>
    %mul3A_21 = arith.constant 5.000000e-03 : f32
    %mul3A_22 = vector.broadcast %mul3A_21 : f32 to vector<64x64xf32>
    %mul3A_23 = arith.mulf %mul3A_22, %add3A : vector<64x64xf32>
    %add3A_24 = arith.addf %get3A_1, %mul3A_23 : vector<64x64xf32>
    %get3A_25 = arith.constant 0 : index
    %get3A_26 = arith.constant 0 : index
    %get3A_27 = vector.load %arg4[%get3A_25, %get3A_26] : memref<64x1xf32, #tpu.memory_space<vmem>>, vector<64x1xf32>
    %add3A_28 = vector.broadcast %get3A_27 : vector<64x1xf32> to vector<64x64xf32>
    %add3A_29 = arith.addf %add3A_24, %add3A_28 : vector<64x64xf32>
    %swap3A = arith.constant 0 : index
    %swap3A_30 = arith.constant 0 : index
    %swap3A_31 = vector.load %arg9[%swap3A, %swap3A_30] : memref<64x64xf32, #tpu.memory_space<vmem>>, vector<64x64xf32>
    tpu.vector_store %arg9[%swap3A, %swap3A_30], %add3A_29 {strides = array<i32>} : memref<64x64xf32, #tpu.memory_space<vmem>>, vector<64x64xf32>,
    %concatenate3A = tpu.concatenate %add3A_29, %add3A_29 in 1 : vector<64x64xf32>, vector<64x64xf32> -> vector<64x128xf32>
    %get3A_32 = arith.constant 0 : index
    %get3A_33 = arith.constant 0 : index
    %get3A_34 = vector.load %arg5[%get3A_32, %get3A_33] : memref<6400x128xf32, #tpu.memory_space<vmem>>, vector<6400x128xf32>
    %reshape3A = vector.shape_cast %get3A_34 : vector<6400x128xf32> to vector<64x100x128xf32>
    %broadcast_in_dim3A_35 = vector.shape_cast %concatenate3A : vector<64x128xf32> to vector<64x1x128xf32>
    %add3A_36 = vector.broadcast %broadcast_in_dim3A_35 : vector<64x1x128xf32> to vector<64x100x128xf32>
    %add3A_37 = arith.addf %add3A_36, %reshape3A : vector<64x100x128xf32>
    %jit3A = arith.constant -7.000000e+02 : f32
    %jit3A_38 = arith.constant 7.000000e+02 : f32
    %max3A = vector.broadcast %jit3A : f32 to vector<64x100x128xf32>
    %max3A_39 = arith.maximumf %max3A, %add3A_37 : vector<64x100x128xf32>
    %min3A = vector.broadcast %jit3A_38 : f32 to vector<64x100x128xf32>
    %min3A_40 = arith.minimumf %min3A, %max3A_39 : vector<64x100x128xf32>
    %exp3A_41 = math.exp %min3A_40 : vector<64x100x128xf32>
    %max3A_42 = arith.constant 9.99999997E-7 : f32
    %max3A_43 = vector.broadcast %max3A_42 : f32 to vector<64x100x128xf32>
    %max3A_44 = arith.maximumf %exp3A_41, %max3A_43 : vector<64x100x128xf32>
    %slice3A = vector.extract_strided_slice %max3A_44 {offsets = [0, 0, 0], sizes = [64, 100, 64], strides = [1, 1, 1]} : vector<64x100x128xf32> to vector<64x100x64xf32>
    %reduce_sum3A_45 = arith.constant dense<0.000000e+00> : vector<64x100xf32>
    %reduce_sum3A_46 = vector.multi_reduction <add>, %slice3A, %reduce_sum3A_45 [2] : vector<64x100x64xf32> to vector<64x100xf32>
    %broadcast_in_dim3A_47 = vector.shape_cast %reduce_sum3A_46 : vector<64x100xf32> to vector<64x100x1xf32>
    %slice3A_48 = vector.extract_strided_slice %max3A_44 {offsets = [0, 0, 64], sizes = [64, 100, 64], strides = [1, 1, 1]} : vector<64x100x128xf32> to vector<64x100x64xf32>
    %reduce_sum3A_49 = arith.constant dense<0.000000e+00> : vector<64x100xf32>
    %reduce_sum3A_50 = vector.multi_reduction <add>, %slice3A_48, %reduce_sum3A_49 [2] : vector<64x100x64xf32> to vector<64x100xf32>
    %broadcast_in_dim3A_51 = vector.shape_cast %reduce_sum3A_50 : vector<64x100xf32> to vector<64x100x1xf32>
    %broadcast_in_dim3A_52 = vector.shape_cast %broadcast_in_dim3A_47 : vector<64x100x1xf32> to vector<64x100x1xf32>
    %broadcast_in_dim3A_53 = vector.broadcast %broadcast_in_dim3A_52 : vector<64x100x1xf32> to vector<64x100x64xf32>
    %broadcast_in_dim3A_54 = vector.shape_cast %broadcast_in_dim3A_51 : vector<64x100x1xf32> to vector<64x100x1xf32>
    %broadcast_in_dim3A_55 = vector.broadcast %broadcast_in_dim3A_54 : vector<64x100x1xf32> to vector<64x100x64xf32>
    %concatenate3A_56 = tpu.concatenate %broadcast_in_dim3A_53, %broadcast_in_dim3A_55 in 2 : vector<64x100x64xf32>, vector<64x100x64xf32> -> vector<64x100x128xf32>
    %div3A_57 = arith.divf %max3A_44, %concatenate3A_56 : vector<64x100x128xf32>
    %reshape3A_58 = vector.shape_cast %div3A_57 : vector<64x100x128xf32> to vector<6400x128xf32>
    %swap3A_59 = arith.constant 0 : index
    %swap3A_60 = arith.constant 0 : index
    %swap3A_61 = vector.load %arg8[%swap3A_59, %swap3A_60] : memref<6400x128xf32, #tpu.memory_space<vmem>>, vector<6400x128xf32>
    tpu.vector_store %arg8[%swap3A_59, %swap3A_60], %reshape3A_58 {strides = array<i32>} : memref<6400x128xf32, #tpu.memory_space<vmem>>, vector<6400x128xf32>,
    %iota3A = tpu.iota {dimensions = array<i32: 0>} : vector<64x100x128xi32>
    %mul3A_62 = arith.constant 100 : i32
    %mul3A_63 = vector.broadcast %mul3A_62 : i32 to vector<64x100x128xi32>
    %mul3A_64 = arith.muli %iota3A, %mul3A_63 : vector<64x100x128xi32>
    %iota3A_65 = tpu.iota {dimensions = array<i32: 1>} : vector<64x100x128xi32>
    %add3A_66 = arith.addi %mul3A_64, %iota3A_65 : vector<64x100x128xi32>
    %iota3A_67 = tpu.iota {dimensions = array<i32: 2>} : vector<64x100x128xi32>
    %mul3A_68 = arith.constant 819200 : i32
    %mul3A_69 = arith.muli %arg0, %mul3A_68 : i32
    %mul3A_70 = arith.constant 128 : i32
    %mul3A_71 = vector.broadcast %mul3A_70 : i32 to vector<64x100x128xi32>
    %mul3A_72 = arith.muli %add3A_66, %mul3A_71 : vector<64x100x128xi32>
    %add3A_73 = vector.broadcast %mul3A_69 : i32 to vector<64x100x128xi32>
    %add3A_74 = arith.addi %add3A_73, %mul3A_72 : vector<64x100x128xi32>
    %add3A_75 = arith.addi %add3A_74, %iota3A_67 : vector<64x100x128xi32>
    %broadcast_in_dim3A_76 = arith.constant 64467757 : i32
    %broadcast_in_dim3A_77 = vector.broadcast %broadcast_in_dim3A_76 : i32 to vector<64x100x128xi32>
    %add3A_78 = arith.constant -1378843660 : i32
    %add3A_79 = vector.broadcast %add3A_78 : i32 to vector<64x100x128xi32>
    %add3A_80 = arith.addi %add3A_75, %add3A_79 : vector<64x100x128xi32>
    %add3A_81 = arith.addi %broadcast_in_dim3A_77, %add3A_80 : vector<64x100x128xi32>
    %shift_left3A = arith.constant 13 : i32
    %shift_left3A_82 = vector.broadcast %shift_left3A : i32 to vector<64x100x128xi32>
    %shift_left3A_83 = arith.shli %add3A_80, %shift_left3A_82 : vector<64x100x128xi32>
    %shift_right_logical3A = arith.constant 19 : i32
    %shift_right_logical3A_84 = vector.broadcast %shift_right_logical3A : i32 to vector<64x100x128xi32>
    %shift_right_logical3A_85 = arith.shrui %add3A_80, %shift_right_logical3A_84 : vector<64x100x128xi32>
    %or3A = arith.ori %shift_left3A_83, %shift_right_logical3A_85 : vector<64x100x128xi32>
    %xor3A = arith.xori %or3A, %add3A_81 : vector<64x100x128xi32>
    %add3A_86 = arith.addi %add3A_81, %xor3A : vector<64x100x128xi32>
    %shift_left3A_87 = arith.constant 15 : i32
    %shift_left3A_88 = vector.broadcast %shift_left3A_87 : i32 to vector<64x100x128xi32>
    %shift_left3A_89 = arith.shli %xor3A, %shift_left3A_88 : vector<64x100x128xi32>
    %shift_right_logical3A_90 = arith.constant 17 : i32
    %shift_right_logical3A_91 = vector.broadcast %shift_right_logical3A_90 : i32 to vector<64x100x128xi32>
    %shift_right_logical3A_92 = arith.shrui %xor3A, %shift_right_logical3A_91 : vector<64x100x128xi32>
    %or3A_93 = arith.ori %shift_left3A_89, %shift_right_logical3A_92 : vector<64x100x128xi32>
    %xor3A_94 = arith.xori %or3A_93, %add3A_86 : vector<64x100x128xi32>
    %add3A_95 = arith.addi %add3A_86, %xor3A_94 : vector<64x100x128xi32>
    %shift_left3A_96 = arith.constant 26 : i32
    %shift_left3A_97 = vector.broadcast %shift_left3A_96 : i32 to vector<64x100x128xi32>
    %shift_left3A_98 = arith.shli %xor3A_94, %shift_left3A_97 : vector<64x100x128xi32>
    %shift_right_logical3A_99 = arith.constant 6 : i32
    %shift_right_logical3A_100 = vector.broadcast %shift_right_logical3A_99 : i32 to vector<64x100x128xi32>
    %shift_right_logical3A_101 = arith.shrui %xor3A_94, %shift_right_logical3A_100 : vector<64x100x128xi32>
    %or3A_102 = arith.ori %shift_left3A_98, %shift_right_logical3A_101 : vector<64x100x128xi32>
    %xor3A_103 = arith.xori %or3A_102, %add3A_95 : vector<64x100x128xi32>
    %add3A_104 = arith.addi %add3A_95, %xor3A_103 : vector<64x100x128xi32>
    %shift_left3A_105 = arith.constant 6 : i32
    %shift_left3A_106 = vector.broadcast %shift_left3A_105 : i32 to vector<64x100x128xi32>
    %shift_left3A_107 = arith.shli %xor3A_103, %shift_left3A_106 : vector<64x100x128xi32>
    %shift_right_logical3A_108 = arith.constant 26 : i32
    %shift_right_logical3A_109 = vector.broadcast %shift_right_logical3A_108 : i32 to vector<64x100x128xi32>
    %shift_right_logical3A_110 = arith.shrui %xor3A_103, %shift_right_logical3A_109 : vector<64x100x128xi32>
    %or3A_111 = arith.ori %shift_left3A_107, %shift_right_logical3A_110 : vector<64x100x128xi32>
    %xor3A_112 = arith.xori %or3A_111, %add3A_104 : vector<64x100x128xi32>
    %add3A_113 = arith.constant -1378843660 : i32
    %add3A_114 = vector.broadcast %add3A_113 : i32 to vector<64x100x128xi32>
    %add3A_115 = arith.addi %add3A_104, %add3A_114 : vector<64x100x128xi32>
    %add3A_116 = arith.constant -1244255484 : i32
    %add3A_117 = vector.broadcast %add3A_116 : i32 to vector<64x100x128xi32>
    %add3A_118 = arith.addi %xor3A_112, %add3A_117 : vector<64x100x128xi32>
    %add3A_119 = arith.addi %add3A_115, %add3A_118 : vector<64x100x128xi32>
    %shift_left3A_120 = arith.constant 17 : i32
    %shift_left3A_121 = vector.broadcast %shift_left3A_120 : i32 to vector<64x100x128xi32>
    %shift_left3A_122 = arith.shli %add3A_118, %shift_left3A_121 : vector<64x100x128xi32>
    %shift_right_logical3A_123 = arith.constant 15 : i32
    %shift_right_logical3A_124 = vector.broadcast %shift_right_logical3A_123 : i32 to vector<64x100x128xi32>
    %shift_right_logical3A_125 = arith.shrui %add3A_118, %shift_right_logical3A_124 : vector<64x100x128xi32>
    %or3A_126 = arith.ori %shift_left3A_122, %shift_right_logical3A_125 : vector<64x100x128xi32>
    %xor3A_127 = arith.xori %or3A_126, %add3A_119 : vector<64x100x128xi32>
    %add3A_128 = arith.addi %add3A_119, %xor3A_127 : vector<64x100x128xi32>
    %shift_left3A_129 = arith.constant 29 : i32
    %shift_left3A_130 = vector.broadcast %shift_left3A_129 : i32 to vector<64x100x128xi32>
    %shift_left3A_131 = arith.shli %xor3A_127, %shift_left3A_130 : vector<64x100x128xi32>
    %shift_right_logical3A_132 = arith.constant 3 : i32
    %shift_right_logical3A_133 = vector.broadcast %shift_right_logical3A_132 : i32 to vector<64x100x128xi32>
    %shift_right_logical3A_134 = arith.shrui %xor3A_127, %shift_right_logical3A_133 : vector<64x100x128xi32>
    %or3A_135 = arith.ori %shift_left3A_131, %shift_right_logical3A_134 : vector<64x100x128xi32>
    %xor3A_136 = arith.xori %or3A_135, %add3A_128 : vector<64x100x128xi32>
    %add3A_137 = arith.addi %add3A_128, %xor3A_136 : vector<64x100x128xi32>
    %shift_left3A_138 = arith.constant 16 : i32
    %shift_left3A_139 = vector.broadcast %shift_left3A_138 : i32 to vector<64x100x128xi32>
    %shift_left3A_140 = arith.shli %xor3A_136, %shift_left3A_139 : vector<64x100x128xi32>
    %shift_right_logical3A_141 = arith.constant 16 : i32
    %shift_right_logical3A_142 = vector.broadcast %shift_right_logical3A_141 : i32 to vector<64x100x128xi32>
    %shift_right_logical3A_143 = arith.shrui %xor3A_136, %shift_right_logical3A_142 : vector<64x100x128xi32>
    %or3A_144 = arith.ori %shift_left3A_140, %shift_right_logical3A_143 : vector<64x100x128xi32>
    %xor3A_145 = arith.xori %or3A_144, %add3A_137 : vector<64x100x128xi32>
    %add3A_146 = arith.addi %add3A_137, %xor3A_145 : vector<64x100x128xi32>
    %shift_left3A_147 = arith.constant 24 : i32
    %shift_left3A_148 = vector.broadcast %shift_left3A_147 : i32 to vector<64x100x128xi32>
    %shift_left3A_149 = arith.shli %xor3A_145, %shift_left3A_148 : vector<64x100x128xi32>
    %shift_right_logical3A_150 = arith.constant 8 : i32
    %shift_right_logical3A_151 = vector.broadcast %shift_right_logical3A_150 : i32 to vector<64x100x128xi32>
    %shift_right_logical3A_152 = arith.shrui %xor3A_145, %shift_right_logical3A_151 : vector<64x100x128xi32>
    %or3A_153 = arith.ori %shift_left3A_149, %shift_right_logical3A_152 : vector<64x100x128xi32>
    %xor3A_154 = arith.xori %or3A_153, %add3A_146 : vector<64x100x128xi32>
    %add3A_155 = arith.constant -1244255485 : i32
    %add3A_156 = vector.broadcast %add3A_155 : i32 to vector<64x100x128xi32>
    %add3A_157 = arith.addi %add3A_146, %add3A_156 : vector<64x100x128xi32>
    %add3A_158 = arith.constant 64467759 : i32
    %add3A_159 = vector.broadcast %add3A_158 : i32 to vector<64x100x128xi32>
    %add3A_160 = arith.addi %xor3A_154, %add3A_159 : vector<64x100x128xi32>
    %add3A_161 = arith.addi %add3A_157, %add3A_160 : vector<64x100x128xi32>
    %shift_left3A_162 = arith.constant 13 : i32
    %shift_left3A_163 = vector.broadcast %shift_left3A_162 : i32 to vector<64x100x128xi32>
    %shift_left3A_164 = arith.shli %add3A_160, %shift_left3A_163 : vector<64x100x128xi32>
    %shift_right_logical3A_165 = arith.constant 19 : i32
    %shift_right_logical3A_166 = vector.broadcast %shift_right_logical3A_165 : i32 to vector<64x100x128xi32>
    %shift_right_logical3A_167 = arith.shrui %add3A_160, %shift_right_logical3A_166 : vector<64x100x128xi32>
    %or3A_168 = arith.ori %shift_left3A_164, %shift_right_logical3A_167 : vector<64x100x128xi32>
    %xor3A_169 = arith.xori %or3A_168, %add3A_161 : vector<64x100x128xi32>
    %add3A_170 = arith.addi %add3A_161, %xor3A_169 : vector<64x100x128xi32>
    %shift_left3A_171 = arith.constant 15 : i32
    %shift_left3A_172 = vector.broadcast %shift_left3A_171 : i32 to vector<64x100x128xi32>
    %shift_left3A_173 = arith.shli %xor3A_169, %shift_left3A_172 : vector<64x100x128xi32>
    %shift_right_logical3A_174 = arith.constant 17 : i32
    %shift_right_logical3A_175 = vector.broadcast %shift_right_logical3A_174 : i32 to vector<64x100x128xi32>
    %shift_right_logical3A_176 = arith.shrui %xor3A_169, %shift_right_logical3A_175 : vector<64x100x128xi32>
    %or3A_177 = arith.ori %shift_left3A_173, %shift_right_logical3A_176 : vector<64x100x128xi32>
    %xor3A_178 = arith.xori %or3A_177, %add3A_170 : vector<64x100x128xi32>
    %add3A_179 = arith.addi %add3A_170, %xor3A_178 : vector<64x100x128xi32>
    %shift_left3A_180 = arith.constant 26 : i32
    %shift_left3A_181 = vector.broadcast %shift_left3A_180 : i32 to vector<64x100x128xi32>
    %shift_left3A_182 = arith.shli %xor3A_178, %shift_left3A_181 : vector<64x100x128xi32>
    %shift_right_logical3A_183 = arith.constant 6 : i32
    %shift_right_logical3A_184 = vector.broadcast %shift_right_logical3A_183 : i32 to vector<64x100x128xi32>
    %shift_right_logical3A_185 = arith.shrui %xor3A_178, %shift_right_logical3A_184 : vector<64x100x128xi32>
    %or3A_186 = arith.ori %shift_left3A_182, %shift_right_logical3A_185 : vector<64x100x128xi32>
    %xor3A_187 = arith.xori %or3A_186, %add3A_179 : vector<64x100x128xi32>
    %add3A_188 = arith.addi %add3A_179, %xor3A_187 : vector<64x100x128xi32>
    %shift_left3A_189 = arith.constant 6 : i32
    %shift_left3A_190 = vector.broadcast %shift_left3A_189 : i32 to vector<64x100x128xi32>
    %shift_left3A_191 = arith.shli %xor3A_187, %shift_left3A_190 : vector<64x100x128xi32>
    %shift_right_logical3A_192 = arith.constant 26 : i32
    %shift_right_logical3A_193 = vector.broadcast %shift_right_logical3A_192 : i32 to vector<64x100x128xi32>
    %shift_right_logical3A_194 = arith.shrui %xor3A_187, %shift_right_logical3A_193 : vector<64x100x128xi32>
    %or3A_195 = arith.ori %shift_left3A_191, %shift_right_logical3A_194 : vector<64x100x128xi32>
    %xor3A_196 = arith.xori %or3A_195, %add3A_188 : vector<64x100x128xi32>
    %add3A_197 = arith.constant 64467757 : i32
    %add3A_198 = vector.broadcast %add3A_197 : i32 to vector<64x100x128xi32>
    %add3A_199 = arith.addi %add3A_188, %add3A_198 : vector<64x100x128xi32>
    %add3A_200 = arith.constant -1378843657 : i32
    %add3A_201 = vector.broadcast %add3A_200 : i32 to vector<64x100x128xi32>
    %add3A_202 = arith.addi %xor3A_196, %add3A_201 : vector<64x100x128xi32>
    %add3A_203 = arith.addi %add3A_199, %add3A_202 : vector<64x100x128xi32>
    %shift_left3A_204 = arith.constant 17 : i32
    %shift_left3A_205 = vector.broadcast %shift_left3A_204 : i32 to vector<64x100x128xi32>
    %shift_left3A_206 = arith.shli %add3A_202, %shift_left3A_205 : vector<64x100x128xi32>
    %shift_right_logical3A_207 = arith.constant 15 : i32
    %shift_right_logical3A_208 = vector.broadcast %shift_right_logical3A_207 : i32 to vector<64x100x128xi32>
    %shift_right_logical3A_209 = arith.shrui %add3A_202, %shift_right_logical3A_208 : vector<64x100x128xi32>
    %or3A_210 = arith.ori %shift_left3A_206, %shift_right_logical3A_209 : vector<64x100x128xi32>
    %xor3A_211 = arith.xori %or3A_210, %add3A_203 : vector<64x100x128xi32>
    %add3A_212 = arith.addi %add3A_203, %xor3A_211 : vector<64x100x128xi32>
    %shift_left3A_213 = arith.constant 29 : i32
    %shift_left3A_214 = vector.broadcast %shift_left3A_213 : i32 to vector<64x100x128xi32>
    %shift_left3A_215 = arith.shli %xor3A_211, %shift_left3A_214 : vector<64x100x128xi32>
    %shift_right_logical3A_216 = arith.constant 3 : i32
    %shift_right_logical3A_217 = vector.broadcast %shift_right_logical3A_216 : i32 to vector<64x100x128xi32>
    %shift_right_logical3A_218 = arith.shrui %xor3A_211, %shift_right_logical3A_217 : vector<64x100x128xi32>
    %or3A_219 = arith.ori %shift_left3A_215, %shift_right_logical3A_218 : vector<64x100x128xi32>
    %xor3A_220 = arith.xori %or3A_219, %add3A_212 : vector<64x100x128xi32>
    %add3A_221 = arith.addi %add3A_212, %xor3A_220 : vector<64x100x128xi32>
    %shift_left3A_222 = arith.constant 16 : i32
    %shift_left3A_223 = vector.broadcast %shift_left3A_222 : i32 to vector<64x100x128xi32>
    %shift_left3A_224 = arith.shli %xor3A_220, %shift_left3A_223 : vector<64x100x128xi32>
    %shift_right_logical3A_225 = arith.constant 16 : i32
    %shift_right_logical3A_226 = vector.broadcast %shift_right_logical3A_225 : i32 to vector<64x100x128xi32>
    %shift_right_logical3A_227 = arith.shrui %xor3A_220, %shift_right_logical3A_226 : vector<64x100x128xi32>
    %or3A_228 = arith.ori %shift_left3A_224, %shift_right_logical3A_227 : vector<64x100x128xi32>
    %xor3A_229 = arith.xori %or3A_228, %add3A_221 : vector<64x100x128xi32>
    %add3A_230 = arith.addi %add3A_221, %xor3A_229 : vector<64x100x128xi32>
    %shift_left3A_231 = arith.constant 24 : i32
    %shift_left3A_232 = vector.broadcast %shift_left3A_231 : i32 to vector<64x100x128xi32>
    %shift_left3A_233 = arith.shli %xor3A_229, %shift_left3A_232 : vector<64x100x128xi32>
    %shift_right_logical3A_234 = arith.constant 8 : i32
    %shift_right_logical3A_235 = vector.broadcast %shift_right_logical3A_234 : i32 to vector<64x100x128xi32>
    %shift_right_logical3A_236 = arith.shrui %xor3A_229, %shift_right_logical3A_235 : vector<64x100x128xi32>
    %or3A_237 = arith.ori %shift_left3A_233, %shift_right_logical3A_236 : vector<64x100x128xi32>
    %xor3A_238 = arith.xori %or3A_237, %add3A_230 : vector<64x100x128xi32>
    %add3A_239 = arith.constant -1378843660 : i32
    %add3A_240 = vector.broadcast %add3A_239 : i32 to vector<64x100x128xi32>
    %add3A_241 = arith.addi %add3A_230, %add3A_240 : vector<64x100x128xi32>
    %add3A_242 = arith.constant -1244255481 : i32
    %add3A_243 = vector.broadcast %add3A_242 : i32 to vector<64x100x128xi32>
    %add3A_244 = arith.addi %xor3A_238, %add3A_243 : vector<64x100x128xi32>
    %add3A_245 = arith.addi %add3A_241, %add3A_244 : vector<64x100x128xi32>
    %shift_left3A_246 = arith.constant 13 : i32
    %shift_left3A_247 = vector.broadcast %shift_left3A_246 : i32 to vector<64x100x128xi32>
    %shift_left3A_248 = arith.shli %add3A_244, %shift_left3A_247 : vector<64x100x128xi32>
    %shift_right_logical3A_249 = arith.constant 19 : i32
    %shift_right_logical3A_250 = vector.broadcast %shift_right_logical3A_249 : i32 to vector<64x100x128xi32>
    %shift_right_logical3A_251 = arith.shrui %add3A_244, %shift_right_logical3A_250 : vector<64x100x128xi32>
    %or3A_252 = arith.ori %shift_left3A_248, %shift_right_logical3A_251 : vector<64x100x128xi32>
    %xor3A_253 = arith.xori %or3A_252, %add3A_245 : vector<64x100x128xi32>
    %add3A_254 = arith.addi %add3A_245, %xor3A_253 : vector<64x100x128xi32>
    %shift_left3A_255 = arith.constant 15 : i32
    %shift_left3A_256 = vector.broadcast %shift_left3A_255 : i32 to vector<64x100x128xi32>
    %shift_left3A_257 = arith.shli %xor3A_253, %shift_left3A_256 : vector<64x100x128xi32>
    %shift_right_logical3A_258 = arith.constant 17 : i32
    %shift_right_logical3A_259 = vector.broadcast %shift_right_logical3A_258 : i32 to vector<64x100x128xi32>
    %shift_right_logical3A_260 = arith.shrui %xor3A_253, %shift_right_logical3A_259 : vector<64x100x128xi32>
    %or3A_261 = arith.ori %shift_left3A_257, %shift_right_logical3A_260 : vector<64x100x128xi32>
    %xor3A_262 = arith.xori %or3A_261, %add3A_254 : vector<64x100x128xi32>
    %add3A_263 = arith.addi %add3A_254, %xor3A_262 : vector<64x100x128xi32>
    %shift_left3A_264 = arith.constant 26 : i32
    %shift_left3A_265 = vector.broadcast %shift_left3A_264 : i32 to vector<64x100x128xi32>
    %shift_left3A_266 = arith.shli %xor3A_262, %shift_left3A_265 : vector<64x100x128xi32>
    %shift_right_logical3A_267 = arith.constant 6 : i32
    %shift_right_logical3A_268 = vector.broadcast %shift_right_logical3A_267 : i32 to vector<64x100x128xi32>
    %shift_right_logical3A_269 = arith.shrui %xor3A_262, %shift_right_logical3A_268 : vector<64x100x128xi32>
    %or3A_270 = arith.ori %shift_left3A_266, %shift_right_logical3A_269 : vector<64x100x128xi32>
    %xor3A_271 = arith.xori %or3A_270, %add3A_263 : vector<64x100x128xi32>
    %add3A_272 = arith.addi %add3A_263, %xor3A_271 : vector<64x100x128xi32>
    %shift_left3A_273 = arith.constant 6 : i32
    %shift_left3A_274 = vector.broadcast %shift_left3A_273 : i32 to vector<64x100x128xi32>
    %shift_left3A_275 = arith.shli %xor3A_271, %shift_left3A_274 : vector<64x100x128xi32>
    %shift_right_logical3A_276 = arith.constant 26 : i32
    %shift_right_logical3A_277 = vector.broadcast %shift_right_logical3A_276 : i32 to vector<64x100x128xi32>
    %shift_right_logical3A_278 = arith.shrui %xor3A_271, %shift_right_logical3A_277 : vector<64x100x128xi32>
    %or3A_279 = arith.ori %shift_left3A_275, %shift_right_logical3A_278 : vector<64x100x128xi32>
    %xor3A_280 = arith.xori %or3A_279, %add3A_272 : vector<64x100x128xi32>
    %add3A_281 = arith.constant -1244255485 : i32
    %add3A_282 = vector.broadcast %add3A_281 : i32 to vector<64x100x128xi32>
    %add3A_283 = arith.addi %add3A_272, %add3A_282 : vector<64x100x128xi32>
    %add3A_284 = arith.constant 64467762 : i32
    %add3A_285 = vector.broadcast %add3A_284 : i32 to vector<64x100x128xi32>
    %add3A_286 = arith.addi %xor3A_280, %add3A_285 : vector<64x100x128xi32>
    %xor3A_287 = arith.xori %add3A_283, %add3A_286 : vector<64x100x128xi32>
    %shift_right_logical3A_288 = arith.constant 9 : i32
    %shift_right_logical3A_289 = vector.broadcast %shift_right_logical3A_288 : i32 to vector<64x100x128xi32>
    %shift_right_logical3A_290 = arith.shrui %xor3A_287, %shift_right_logical3A_289 : vector<64x100x128xi32>
    %or3A_291 = arith.constant 1065353216 : i32
    %or3A_292 = vector.broadcast %or3A_291 : i32 to vector<64x100x128xi32>
    %or3A_293 = arith.ori %shift_right_logical3A_290, %or3A_292 : vector<64x100x128xi32>
    %bitcast_convert_type3A = tpu.bitcast %or3A_293 : vector<64x100x128xi32> -> vector<64x100x128xf32>
    %sub3A_294 = arith.constant 1.000000e+00 : f32
    %sub3A_295 = vector.broadcast %sub3A_294 : f32 to vector<64x100x128xf32>
    %sub3A_296 = arith.subf %bitcast_convert_type3A, %sub3A_295 : vector<64x100x128xf32>
    %mul3A_297 = arith.constant 1.000000e+00 : f32
    %mul3A_298 = vector.broadcast %mul3A_297 : f32 to vector<64x100x128xf32>
    %mul3A_299 = arith.mulf %sub3A_296, %mul3A_298 : vector<64x100x128xf32>
    %add3A_300 = arith.constant 9.99999971E-10 : f32
    %add3A_301 = vector.broadcast %add3A_300 : f32 to vector<64x100x128xf32>
    %add3A_302 = arith.addf %mul3A_299, %add3A_301 : vector<64x100x128xf32>
    %max3A_303 = arith.constant 9.99999971E-10 : f32
    %max3A_304 = vector.broadcast %max3A_303 : f32 to vector<64x100x128xf32>
    %max3A_305 = arith.maximumf %max3A_304, %add3A_302 : vector<64x100x128xf32>
    %log3A = math.log %max3A_305 : vector<64x100x128xf32>
    %neg3A = arith.constant 0.000000e+00 : f32
    %neg3A_306 = vector.broadcast %neg3A : f32 to vector<64x100x128xf32>
    %neg3A_307 = arith.subf %neg3A_306, %log3A : vector<64x100x128xf32>
    %log3A_308 = math.log %neg3A_307 : vector<64x100x128xf32>
    %sub3A_309 = arith.subf %add3A_37, %log3A_308 : vector<64x100x128xf32>
    %slice3A_310 = vector.extract_strided_slice %sub3A_309 {offsets = [0, 0, 0], sizes = [64, 100, 64], strides = [1, 1, 1]} : vector<64x100x128xf32> to vector<64x100x64xf32>
    %reduce_max3A_311 = arith.constant dense<0xFF800000> : vector<64x100xf32>
    %reduce_max3A_312 = vector.multi_reduction <maximumf>, %slice3A_310, %reduce_max3A_311 [2] : vector<64x100x64xf32> to vector<64x100xf32>
    %broadcast_in_dim3A_313 = vector.shape_cast %reduce_max3A_312 : vector<64x100xf32> to vector<64x100x1xf32>
    %slice3A_314 = vector.extract_strided_slice %sub3A_309 {offsets = [0, 0, 64], sizes = [64, 100, 64], strides = [1, 1, 1]} : vector<64x100x128xf32> to vector<64x100x64xf32>
    %reduce_max3A_315 = arith.constant dense<0xFF800000> : vector<64x100xf32>
    %reduce_max3A_316 = vector.multi_reduction <maximumf>, %slice3A_314, %reduce_max3A_315 [2] : vector<64x100x64xf32> to vector<64x100xf32>
    %broadcast_in_dim3A_317 = vector.shape_cast %reduce_max3A_316 : vector<64x100xf32> to vector<64x100x1xf32>
    %broadcast_in_dim3A_318 = vector.shape_cast %broadcast_in_dim3A_313 : vector<64x100x1xf32> to vector<64x100x1xf32>
    %broadcast_in_dim3A_319 = vector.broadcast %broadcast_in_dim3A_318 : vector<64x100x1xf32> to vector<64x100x64xf32>
    %broadcast_in_dim3A_320 = vector.shape_cast %broadcast_in_dim3A_317 : vector<64x100x1xf32> to vector<64x100x1xf32>
    %broadcast_in_dim3A_321 = vector.broadcast %broadcast_in_dim3A_320 : vector<64x100x1xf32> to vector<64x100x64xf32>
    %concatenate3A_322 = tpu.concatenate %broadcast_in_dim3A_319, %broadcast_in_dim3A_321 in 2 : vector<64x100x64xf32>, vector<64x100x64xf32> -> vector<64x100x128xf32>
    %and3A = arith.constant 63 : i32
    %and3A_323 = vector.broadcast %and3A : i32 to vector<64x100x128xi32>
    %and3A_324 = arith.andi %iota3A_67, %and3A_323 : vector<64x100x128xi32>
    %eq3A = arith.cmpf oeq, %sub3A_309, %concatenate3A_322 : vector<64x100x128xf32>
    %jit3A_325 = arith.constant 64 : i32
    %broadcast_in_dim3A_326 = vector.broadcast %jit3A_325 : i32 to vector<64x100x128xi32>
    %select_n3A = arith.select %eq3A, %and3A_324, %broadcast_in_dim3A_326 : vector<64x100x128xi1>, vector<64x100x128xi32>
    %slice3A_327 = vector.extract_strided_slice %select_n3A {offsets = [0, 0, 0], sizes = [64, 100, 64], strides = [1, 1, 1]} : vector<64x100x128xi32> to vector<64x100x64xi32>
    %reduce_min3A = arith.constant dense<2147483647> : vector<64x100xi32>
    %reduce_min3A_328 = vector.multi_reduction <minsi>, %slice3A_327, %reduce_min3A [2] : vector<64x100x64xi32> to vector<64x100xi32>
    %slice3A_329 = vector.extract_strided_slice %select_n3A {offsets = [0, 0, 64], sizes = [64, 100, 64], strides = [1, 1, 1]} : vector<64x100x128xi32> to vector<64x100x64xi32>
    %reduce_min3A_330 = arith.constant dense<2147483647> : vector<64x100xi32>
    %reduce_min3A_331 = vector.multi_reduction <minsi>, %slice3A_329, %reduce_min3A_330 [2] : vector<64x100x64xi32> to vector<64x100xi32>
    %swap3A_332 = arith.constant 0 : index
    %swap3A_333 = arith.constant 0 : index
    %swap3A_334 = vector.load %arg6[%swap3A_332, %swap3A_333] : memref<64x100xi32, #tpu.memory_space<vmem>>, vector<64x100xi32>
    tpu.vector_store %arg6[%swap3A_332, %swap3A_333], %reduce_min3A_328 {strides = array<i32>} : memref<64x100xi32, #tpu.memory_space<vmem>>, vector<64x100xi32>,
    %swap3A_335 = arith.constant 0 : index
    %swap3A_336 = arith.constant 0 : index
    %swap3A_337 = vector.load %arg7[%swap3A_335, %swap3A_336] : memref<64x100xi32, #tpu.memory_space<vmem>>, vector<64x100xi32>
    tpu.vector_store %arg7[%swap3A_335, %swap3A_336], %reduce_min3A_331 {strides = array<i32>} : memref<64x100xi32, #tpu.memory_space<vmem>>, vector<64x100xi32>,
    %iota3A_338 = tpu.iota {dimensions = array<i32: 2>} : vector<64x100x64xi32>
    %broadcast_in_dim3A_339 = vector.shape_cast %reduce_min3A_328 : vector<64x100xi32> to vector<64x100x1xi32>
    %eq3A_340 = vector.broadcast %broadcast_in_dim3A_339 : vector<64x100x1xi32> to vector<64x100x64xi32>
    %eq3A_341 = arith.cmpi eq, %eq3A_340, %iota3A_338 : vector<64x100x64xi32>
    %convert_element_type3A = arith.extui %eq3A_341 : vector<64x100x64xi1> to vector<64x100x64xi32>
    %convert_element_type3A_342 = arith.sitofp %convert_element_type3A : vector<64x100x64xi32> to vector<64x100x64xf32>
    %broadcast_in_dim3A_343 = vector.shape_cast %reduce_min3A_331 : vector<64x100xi32> to vector<64x100x1xi32>
    %eq3A_344 = vector.broadcast %broadcast_in_dim3A_343 : vector<64x100x1xi32> to vector<64x100x64xi32>
    %eq3A_345 = arith.cmpi eq, %eq3A_344, %iota3A_338 : vector<64x100x64xi32>
    %convert_element_type3A_346 = arith.extui %eq3A_345 : vector<64x100x64xi1> to vector<64x100x64xi32>
    %convert_element_type3A_347 = arith.sitofp %convert_element_type3A_346 : vector<64x100x64xi32> to vector<64x100x64xf32>
    %add3A_348 = arith.addf %convert_element_type3A_342, %convert_element_type3A_347 : vector<64x100x64xf32>
    %reduce_sum3A_349 = arith.constant dense<0.000000e+00> : vector<64x64xf32>
    %reduce_sum3A_350 = vector.multi_reduction <add>, %add3A_348, %reduce_sum3A_349 [1] : vector<64x100x64xf32> to vector<64x64xf32>
    %swap3A_351 = arith.constant 0 : index
    %swap3A_352 = arith.constant 0 : index
    %swap3A_353 = vector.load %arg10[%swap3A_351, %swap3A_352] : memref<64x64xf32, #tpu.memory_space<vmem>>, vector<64x64xf32>
    tpu.vector_store %arg10[%swap3A_351, %swap3A_352], %reduce_sum3A_350 {strides = array<i32>} : memref<64x64xf32, #tpu.memory_space<vmem>>, vector<64x64xf32>,
    return
  }
  func.func @transform_0(%arg0: i32) -> (i32, i32) {
    %c0_i32 = arith.constant 0 : i32
    %c0_i32_0 = arith.constant 0 : i32
    return %arg0, %c0_i32 : i32, i32
  }
  func.func @transform_1(%arg0: i32) -> (i32, i32) {
    %c0_i32 = arith.constant 0 : i32
    %c0_i32_0 = arith.constant 0 : i32
    %c0_i32_1 = arith.constant 0 : i32
    return %c0_i32, %c0_i32_0 : i32, i32
  }
  func.func @transform_2(%arg0: i32) -> (i32, i32) {
    %c0_i32 = arith.constant 0 : i32
    %c0_i32_0 = arith.constant 0 : i32
    return %arg0, %c0_i32 : i32, i32
  }
  func.func @transform_3(%arg0: i32) -> (i32, i32) {
    %c0_i32 = arith.constant 0 : i32
    %c0_i32_0 = arith.constant 0 : i32
    return %arg0, %c0_i32 : i32, i32
  }
  func.func @transform_4(%arg0: i32) -> (i32, i32) {
    %c0_i32 = arith.constant 0 : i32
    %c0_i32_0 = arith.constant 0 : i32
    return %arg0, %c0_i32 : i32, i32
  }
  func.func @transform_5(%arg0: i32) -> (i32, i32) {
    %c0_i32 = arith.constant 0 : i32
    %c0_i32_0 = arith.constant 0 : i32
    return %arg0, %c0_i32 : i32, i32
  }
  func.func @transform_6(%arg0: i32) -> (i32, i32) {
    %c0_i32 = arith.constant 0 : i32
    %c0_i32_0 = arith.constant 0 : i32
    return %arg0, %c0_i32 : i32, i32
  }
  func.func @transform_7(%arg0: i32) -> (i32, i32) {
    %c0_i32 = arith.constant 0 : i32
    %c0_i32_0 = arith.constant 0 : i32
    return %arg0, %c0_i32 : i32, i32
  }
  func.func @transform_8(%arg0: i32) -> (i32, i32) {
    %c0_i32 = arith.constant 0 : i32
    %c0_i32_0 = arith.constant 0 : i32
    return %arg0, %c0_i32 : i32, i32
  }
  func.func @transform_9(%arg0: i32) -> (i32, i32) {
    %c0_i32 = arith.constant 0 : i32
    %c0_i32_0 = arith.constant 0 : i32
    return %arg0, %c0_i32 : i32, i32
  }
}

</mosaic_0001>

<sc_bundles>
// kernel: kernel.4.cloned.1.call-start
scs
__scs_entry_jumppad:
0x0: {  	(pc) =	sbr.rel $0x88, $3  }
0x1: {  	(tag) =	ssettag $0x0;
	lr =	simm.s32 $0x1  }
0x2: {  	[smem:$0x3F9C] =	sst lr;
	_ =	strace $0xD0000000  }
0x3: {  	_ = 	snop  }
0x4: {  	_ = 	snop  }
0x5: {  	_ = 	snop  }
0x6: {  	_ = 	snop  }
0x7: {  	_ = 	snop  }
__scs_overlays_trampoline_lowered:
0x8: {  	[smem:$0x3FAB] =	sst s0  }
0x9: {  	[smem:$0x3FAC] =	sst s1  }
0xa: {  	[smem:$0x3FAD] =	sst s2  }
0xb: {  	[smem:$0x3FAE] =	sst s3  }
0xc: {  	[smem:$0x3FAF] =	sst s4  }
0xd: {  	[smem:$0x3FB0] =	sst s5  }
0xe: {  	[smem:$0x3FB1] =	sst s6  }
0xf: {  	[smem:$0x3FB2] =	sst s7  }
0x10: {  	[smem:$0x3FB3] =	sst s8  }
0x11: {  	[smem:$0x3FB4] =	sst s9;
	s0 =	simm.s32 @!p0 $0x0  }
0x12: {  	s1 =	sld [smem:$0x3F9A];
	s0 =	simm.s32 @p0 $0x1  }
0x13: {  	[smem:$0x3FB5] =	sst s0;
	s0 =	simm.s32 @!p1 $0x0  }
0x14: {  	s2 =	sld [smem:$0x3F99];
	s0 =	simm.s32 @p1 $0x1  }
0x15: {  	[smem:$0x3FB6] =	sst s0;
	s0 =	simm.s32 @!p2 $0x0  }
0x16: {  	s3 =	sld [smem:$0x3FDB];
	s0 =	simm.s32 @p2 $0x1  }
0x17: {  	s4 =	simm.s32 $0x1BF5;
	[smem:$0x3FB8] =	sst s0  }
0x18: {  	s0 =	sld [smem:$0x3F9B];
	_ =	swait.ge [sflag:s4], $0x0  }
0x19: {  	s7 =	sld [smem:$0x3F9C]  }
0x1a: {  	s8 =	sadd.s32 $0xFFFFE003, lr  }
0x1b: {  	s9 =	sadd.s32 $0xFFFFFEF7, lr;
	s5 =	simm.s32 $0xFFFFFFFF;
	p2 =	slt.u32 s8, $0xFFFFF086  }
0x1c: {  	p1 =	slt.u32 s9, $0xF7A;
	s5 =	simm.s32 @!p2 $0x0  }
0x1d: {  	s5 =	simm.s32 @p1 $0x1;
	p0 =	seq.s32 s7, s2  }
0x1e: {  	s7 =	smul.u32 @!p0 $0xF7A, s2;
	p2 =	seq.s32 @!p0 s5, $0x0  }
0x1f: {  	s9 =	smul.u32 $0xF7A, s1;
	s8 =	simm.s32 @!p0 $0x1BF5;
	p2 =	por !p2, p0  }
0x20: {  	[sflag:s8] =	ssyncset.s32 @!p0 $0xFFFFF086;
	s6 =	sadd.s32 @!p0 s3, s7;
	s7 =	simm.s32 @!p0 $0x108  }
0x21: {  	s3 =	sadd.s32 s3, s9;
	s6 =	sadd.s32 @!p0 $0x88, s6;
	s7 =	simm.s32 @p2 $0x1082  }
0x22: {  	[simem:s7], [sflag:s8] =	dma.local @!p0 [hbm:s6], $0xF7A  }
0x23: {  	s9 =	sor.u32 $0xD0000000, s2;
	s6 =	simm.s32 $0x108;
	_ =	swait.ge @!p0 [sflag:s8], $0x0  }
0x24: {  	s3 =	sadd.s32 $0x88, s3;
	s6 =	simm.s32 @!p1 $0x1082;
	[sflag:s4] =	ssyncset.s32 $0xFFFFF086  }
0x25: {  	[simem:s6], [sflag:s4] =	dma.local [hbm:s3], $0xF7A  }
0x26: {  	[smem:$0x3F9C] =	sst s1;
	(tag) =	ssettag s2;
	_ =	strace s9  }
0x27: {  	s1 =	sld [smem:$0x3FAC]  }
0x28: {  	s2 =	sld [smem:$0x3FAD]  }
0x29: {  	s4 =	sld [smem:$0x3FAF]  }
0x2a: {  	p0 =	seq.s32 s5, $0x0;
	s5 =	sld [smem:$0x3FB0]  }
0x2b: {  	s6 =	sld [smem:$0x3FB1]  }
0x2c: {  	s7 =	sld [smem:$0x3FB2]  }
0x2d: {  	s3 =	simm.s32 $0x108;
	s8 =	sld [smem:$0x3FB3]  }
0x2e: {  	s3 =	simm.s32 @!p0 $0x1082;
	s9 =	sld [smem:$0x3FB4]  }
0x2f: {  	lr =	sadd.s32 s0, s3;
	s0 =	sld [smem:$0x3FAB]  }
0x30: {  	s3 =	sld [smem:$0x3FAE]  }
0x31: {  	[smem:$0x3FB7] =	sst s10  }
0x32: {  	s10 =	sld [smem:$0x3FB5];
	_ =	sdelay $0x3  }
0x33: {  	p0 =	seq.s32 s10, $0x1;
	s10 =	sld [smem:$0x3FB7];
	_ =	sdelay $0x3  }
0x34: {  	[smem:$0x3FB7] =	sst s10  }
0x35: {  	s10 =	sld [smem:$0x3FB6];
	_ =	sdelay $0x3  }
0x36: {  	p1 =	seq.s32 s10, $0x1;
	s10 =	sld [smem:$0x3FB7];
	_ =	sdelay $0x3  }
0x37: {  	[smem:$0x3FB7] =	sst s10  }
0x38: {  	s10 =	sld [smem:$0x3FB8]  }
0x39: {  	_ = 	snop;
	(pc) =	sbr.ind lr, $3  }
0x3a: {  	_ = 	snop  }
0x3b: {  	_ = 	snop  }
0x3c: {  	p2 =	seq.s32 s10, $0x1;
	s10 =	sld [smem:$0x3FB7]  }
0x3d: {  	_ =	shalt  }
0x3e: {  	_ =	shalt  }
0x3f: {  	_ =	shalt  }
0x40: {  	_ =	shalt  }
0x41: {  	_ =	shalt  }
0x42: {  	_ =	shalt  }
0x43: {  	_ =	shalt  }
0x44: {  	_ =	shalt  }
0x45: {  	_ =	shalt  }
0x46: {  	_ =	shalt  }
0x47: {  	_ =	shalt  }
0x48: {  	_ =	shalt  }
0x49: {  	_ =	shalt  }
0x4a: {  	_ =	shalt  }
0x4b: {  	_ =	shalt  }
0x4c: {  	_ =	shalt  }
0x4d: {  	_ =	shalt  }
0x4e: {  	_ =	shalt  }
0x4f: {  	_ =	shalt  }
0x50: {  	_ =	shalt  }
0x51: {  	_ =	shalt  }
0x52: {  	_ =	shalt  }
0x53: {  	_ =	shalt  }
0x54: {  	_ =	shalt  }
0x55: {  	_ =	shalt  }
0x56: {  	_ =	shalt  }
0x57: {  	_ =	shalt  }
0x58: {  	_ =	shalt  }
0x59: {  	_ =	shalt  }
0x5a: {  	_ =	shalt  }
0x5b: {  	_ =	shalt  }
0x5c: {  	_ =	shalt  }
0x5d: {  	_ =	shalt  }
0x5e: {  	_ =	shalt  }
0x5f: {  	_ =	shalt  }
0x60: {  	_ =	shalt  }
0x61: {  	_ =	shalt  }
0x62: {  	_ =	shalt  }
0x63: {  	_ =	shalt  }
0x64: {  	_ =	shalt  }
0x65: {  	_ =	shalt  }
0x66: {  	_ =	shalt  }
0x67: {  	_ =	shalt  }
0x68: {  	_ =	shalt  }
0x69: {  	_ =	shalt  }
0x6a: {  	_ =	shalt  }
0x6b: {  	_ =	shalt  }
0x6c: {  	_ =	shalt  }
0x6d: {  	_ =	shalt  }
0x6e: {  	_ =	shalt  }
0x6f: {  	_ =	shalt  }
0x70: {  	_ =	shalt  }
0x71: {  	_ =	shalt  }
0x72: {  	_ =	shalt  }
0x73: {  	_ =	shalt  }
0x74: {  	_ =	shalt  }
0x75: {  	_ =	shalt  }
0x76: {  	_ =	shalt  }
0x77: {  	_ =	shalt  }
0x78: {  	_ =	shalt  }
0x79: {  	_ =	shalt  }
0x7a: {  	_ =	shalt  }
0x7b: {  	_ =	shalt  }
0x7c: {  	_ =	shalt  }
0x7d: {  	_ =	shalt  }
0x7e: {  	_ =	shalt  }
0x7f: {  	_ =	shalt  }
0x80: {  	_ =	shalt  }
0x81: {  	_ =	shalt  }
0x82: {  	_ =	shalt  }
0x83: {  	_ =	shalt  }
0x84: {  	_ =	shalt  }
0x85: {  	_ =	shalt  }
0x86: {  	_ =	shalt  }
0x87: {  	_ =	shalt  }
.Lfunc_end0:
.L_simem_size_0:
called_computation.1_lowered:
.L_overlay_start_0:
0x88: {  	s2 =	sld [smem:$0x3FD9]  }
0x89: {  	s3 =	sld [smem:$0x3FFE];
	_ =	sdelay $0x1  }
0x8a: {  	s1 =	srdreg.scid  }
0x8b: {  	s0 =	sand.u32 $0x1, s1  }
0x8c: {  	s14 =	sshll.u32 s0, $0xA;
	s2 =	sadd.s32 s3, s2  }
0x8d: {  	s2 =	sadd.s32 s2, s14  }
0x8e: {  	[smem:$0x3FC3] =	sst s2  }
0x8f: {  	_ = 	snop  }
0x90: {  	s2 =	sld [smem:$0x3FD0];
	_ =	sdelay $0x2  }
0x91: {  	s15 =	simm.s32 $0xA;
	s4 =	simm.s32 $0x10  }
0x92: {  	[smem:s4], [sflag:s15] =	dma.local [hbm:s2], $0x1  }
0x93: {  	_ =	swait.eq [sflag:s15], $0x1  }
0x94: {  	[sflag:s15] =	ssyncset.done $0x0  }
0x95: {  	[sflag:s15] =	ssyncadd.s32 $0xFFFFFFFF  }
0x96: {  	s16 =	sld [smem:$0x10];
	(tm) =	ssettm $0x1  }
0x97: {  	s17 =	sld [smem:$0x3FFB];
	_ =	sdelay $0x3  }
0x98: {  	_ =	strace s17  }
0x99: {  	s3 =	sld [smem:$0x3FFC];
	_ =	sdelay $0x3  }
0x9a: {  	_ =	strace s3  }
0x9b: {  	s3 =	sld [smem:$0x3FFD];
	_ =	sdelay $0x3  }
0x9c: {  	_ =	strace s3  }
0x9d: {  	_ =	strace $0x8FFFFFFF  }
0x9e: {  	s18 =	sld [smem:$0x3FDB];
	_ =	sdelay $0x1  }
0x9f: {  	s19 =	simm.s32 $_scs_section_size  }
0xa0: {  	s5 =	simm.s32 $_size__tile_overlayer_lowered;
	s6 =	simm.s32 $_tile_overlayer_lowered  }
0xa1: {  	s22 =	simm.s32 $0x1BFF;
	s21 =	sshll.u32 s6, $0x1;
	s3 =	sadd.s32 s19, s18  }
0xa2: {  	s7 =	simm.s32 $0x0;
	s20 =	sshll.u32 s5, $0x1;
	s5 =	sadd.s32 s21, s3  }
0xa3: {  	[timem:s7], [sflag:s22] =	dma.local [hbm:s5], s20  }
0xa4: {  	_ =	swait.ge [sflag:s22], s20  }
0xa5: {  	s4 =	ssub.s32 $0x0, s20;
	[sflag:s22] =	ssyncset.done $0x0  }
0xa6: {  	[sflag:s22] =	ssyncadd.s32 s4;
	_ =	sdelay $0x1  }
0xa7: {  	s23 =	simm.s32 $0x1B8B  }
0xa8: {  	_ =	swait.ge [sflag:s23], $0x1  }
0xa9: {  	[sflag:s23] =	ssyncset.done $0x0  }
0xaa: {  	s25 =	simm.s32 $0x1B8E;
	s24 =	sld [smem:$0x3FFE];
	[sflag:s23] =	ssyncadd.s32 $0xFFFFFFFF  }
0xab: {  	s26 =	simm.s32 $execute0_lowered;
	[smem:$0x3FD2] =	sst s25  }
0xac: {  	s5 =	sshll.u32 s26, $0x1;
	_ =	strace $0x80000046;
	[dreg:$0x1] =	wrdreg $0xFFFFFFFF  }
0xad: {  	s28 =	simm.s32 $_size_execute0_lowered;
	s3 =	sadd.s32 s3, s5;
	[dreg:$0x0] =	wrdreg $0x0  }
0xae: {  	s5 =	sshll.u32 s28, $0x1;
	[dreg:$0x2] =	wrdreg s3  }
0xaf: {  	[dreg:$0x3] =	wrdreg s5  }
0xb0: {  	[dreg:$0x4] =	wrdreg $0xC0  }
0xb1: {  	_ =	task [dreg:s7], $0x5FFFF  }
0xb2: {  	[dreg:$0x1] =	wrdreg $0xFFFFFFFF  }
0xb3: {  	[dreg:$0x0] =	wrdreg $0x60  }
0xb4: {  	[dreg:$0x2] =	wrdreg s16  }
0xb5: {  	[dreg:$0x3] =	wrdreg s24  }
0xb6: {  	[dreg:$0x4] =	wrdreg $0x9  }
0xb7: {  	_ =	task.clear_ibuf [dreg:s7], $0x5FFFF;
	_ =	strace $0x90000046  }
0xb8: {  	s29 =	simm.s32 $0x9;
	_ =	strace $0x80000048  }
0xb9: {  	_ =	swait.ge [sflag:s29], $0x1  }
0xba: {  	[sflag:s29] =	ssyncadd.s32 $0xFFFFFFFF  }
0xbb: {  	_ =	strace $0x90000048  }
0xbc: {  	_ =	sfence  }
0xbd: {  	s30 =	sld [smem:$0x0];
	_ =	sdelay $0x2  }
0xbe: {  	s31 =	sshll.u32 s1, $0xD;
	s1 =	sshrl.u32 s1, $0x2  }
0xbf: {  	s3 =	sand.u32 $0x4000, s31;
	s1 =	sadd.s32 s1, s30  }
0xc0: {  	s0 =	sor.u32 s3, s0;
	s1 =	sshll.u32 s1, $0x11  }
0xc1: {  	s0 =	sor.u32 s1, s0  }
0xc2: {  	s0 =	sadd.s32 $0x8F2B, s0  }
0xc3: {  	[sflag:s0] =	ssyncadd.remote.s32 $0x1  }
0xc4: {  	_ =	sfence.sel $0xFFFF  }
0xc5: {  	[dreg:$0x0] =	wrdreg $0xFFFFFFFF;
	(pc) =	sbr.abs _section_cstart, $3  }
0xc6: {  	[dreg:$0x1] =	wrdreg $0xFFFFFFFF  }
0xc7: {  	_ =	task.clear_ibuf [dreg:s7], $0x2FFFF;
	_ =	strace $0x9FFFFFFF  }
0xc8: {  	(tm) =	ssettm $0x7FFFFFFF  }
0xc9: {  	_ =	shalt  }
tec
execute0_lowered:
.L_overlay_start_1:
0x0: {  	(tag) =	ssettag $0x1  }
0x1: {  	s1 =	srdreg.scid  }
0x2: {  	s0 =	stileid.u32;
	s4 =	rddreg [dreg:$0x0]  }
0x3: {  	s6 =	rddreg [dreg:$0x1];
	s2 =	simm.s32 $0x0;
	s15 =	simm.s32 $0x2  }
0x4: {  	s16 =	simm.s32 $0x1880;
	s17 =	simm.s32 $0x0;
	s11 =	smul.u32 $0xC8000, s0  }
0x5: {  	s5 =	sand.u32 $0x1, s1;
	s1 =	rddreg [dreg:$0x2];
	s26 =	smul.u32 $0x3200, s0  }
0x6: {  	s24 =	sshll.u32 s0, $0x1;
	[smem:$0x7FF] =	sst s2;
	s13 =	smul.u32 $0x64000, s5  }
0x7: {  	s3 =	sadd.s32 $0x2200, s6;
	s7 =	sor.u32 s5, s24;
	s29 =	smul.u32 $0x1900, s5  }
0x8: {  	s14 =	sadd.s32 $0xC5800, s6;
	s10 =	ssub.s32 $0x2, s5;
	s8 =	smul.u32 $0x320, s7  }
0x9: {  	_ =	strace $0x80000047;
	s9 =	smul.u32 $0x64000, s7;
	s12 =	sshrl.u32 s10, $0x1  }
0xa: {  	s7 =	smul.u32 $0xC800, s7;
	s25 =	ssub.s32 s10, s12;
	s31 =	sadd.s32 s13, s11  }
0xb: {  	s10 =	simm.s32 $0x3;
	s11 =	simm.s32 $0x1900;
	s12 =	simm.s32 $0x80  }
0xc: {  	s13 =	simm.s32 $0x3900;
	s4 =	sadd.s32 s4, s8;
	s28 =	sshrl.u32 s9, $0x3  }
0xd: {  	s5 =	smax.u32 s25, $0x1;
	s9 =	sadd.s32 s29, s26;
	s7 =	sadd.s32 s14, s7  }
0xe: {  	s8 =	sshrl.u32 s31, $0x3;
	s30 =	sadd.s32 s14, s28;
	s9 =	sshll.u32 s9, $0x3  }
0xf: {  	s7 =	sadd.s32 $0xC400, s7;
	s8 =	sadd.s32 s8, s14;
	s9 =	sadd.s32 s9, s14  }
0x10: {  	s6 =	sadd.s32 $0xC000, s30;
	s14 =	simm.s32 $0x1;
	s9 =	sadd.s32 $0x400, s9  }
.LBB2_1:
0x11: {  	[tilespmem:s2], [sflag:$0x3] =	stream.linear.gather [hbm4b:s4+s2], $0x1900, $0x38;
	[tilespmem:$0x5900] =	vst v63  }
0x12: {  	_ =	swait.ge [sflag:s10], $0x1900  }
0x13: {  	[sflag:s10] =	ssyncset.done $0x0  }
0x14: {  	[sflag:s10] =	ssyncadd.s32 $0xFFFFE700  }
0x15: {  	[tilespmem:s11], [sflag:$0x1] =	stream.indirect.gather [hbm4b:s3+s12], $0x40, s2, s12, $0xb8;
	[tilespmem:$0x5900] =	vst v63  }
0x16: {  	_ = 	snop  }
0x17: {  	[tilespmem:s13], [sflag:$0x2] =	stream.indirect.gather [hbm4b:s3+s12], $0x40, s12, s12, $0xb8;
	[tilespmem:$0x5900] =	vst v63  }
0x18: {  	_ =	swait.ge [sflag:s14], $0x2000  }
0x19: {  	[sflag:s14] =	ssyncset.done $0x0  }
0x1a: {  	s18 =	sadd.s32 $0x0, s8;
	[sflag:s14] =	ssyncadd.s32 $0xFFFFE000  }
0x1b: {  	[hbm4b:s18+s2] =	stream.linear.scatter [tilespmem:s11], [sflag:$0x3], $0x2000, $0x38;
	[tilespmem:$0x5900] =	vst v63  }
0x1c: {  	_ =	swait.ge [sflag:s10], $0x2000  }
0x1d: {  	[sflag:s10] =	ssyncset.done $0x0  }
0x1e: {  	s30 =	simm.s32 $0x100;
	[sflag:s10] =	ssyncadd.s32 $0xFFFFE000  }
0x1f: {  	[tilespmem:s11], [sflag:$0x1] =	stream.indirect.gather [hbm4b:s3+s12], $0x40, s30, s12, $0xb8;
	[tilespmem:$0x5900] =	vst v63  }
0x20: {  	_ =	swait.ge [sflag:s15], $0x2000  }
0x21: {  	[sflag:s15] =	ssyncset.done $0x0  }
0x22: {  	s31 =	sadd.s32 $0x0, s9;
	[sflag:s15] =	ssyncadd.s32 $0xFFFFE000  }
0x23: {  	[hbm4b:s31+s2] =	stream.linear.scatter [tilespmem:s13], [sflag:$0x3], $0x2000, $0x38;
	[tilespmem:$0x5900] =	vst v63  }
0x24: {  	_ =	swait.ge [sflag:s10], $0x2000  }
0x25: {  	s19 =	simm.s32 $0x80;
	s18 =	simm.s32 $0x800;
	[sflag:s10] =	ssyncset.done $0x0  }
.LBB2_2:
0x26: {  	p0 =	sne.s32 s18, $0xB800;
	[sflag:s10] =	ssyncadd.s32 $0xFFFFE000;
	s19 =	sadd.s32 $0x100, s19  }
0x27: {  	[tilespmem:s13], [sflag:$0x2] =	stream.indirect.gather [hbm4b:s3+s12], $0x40, s19, s12, $0xb8;
	[tilespmem:$0x5900] =	vst v63  }
0x28: {  	s20 =	smov.u32 s18;
	s18 =	sadd.s32 $0x800, s18;
	_ =	swait.ge [sflag:s14], $0x2000  }
0x29: {  	[sflag:s14] =	ssyncset.done $0x0  }
0x2a: {  	s21 =	sadd.s32 s20, s8;
	[sflag:s14] =	ssyncadd.s32 $0xFFFFE000  }
0x2b: {  	[hbm4b:s21+s2] =	stream.linear.scatter [tilespmem:s11], [sflag:$0x3], $0x2000, $0x38;
	[tilespmem:$0x5900] =	vst v63  }
0x2c: {  	_ =	swait.ge [sflag:s10], $0x2000  }
0x2d: {  	[sflag:s10] =	ssyncset.done $0x0  }
0x2e: {  	s21 =	sadd.s32 $0x80, s19;
	[sflag:s10] =	ssyncadd.s32 $0xFFFFE000  }
0x2f: {  	[tilespmem:s11], [sflag:$0x1] =	stream.indirect.gather [hbm4b:s3+s12], $0x40, s21, s12, $0xb8;
	[tilespmem:$0x5900] =	vst v63  }
0x30: {  	_ =	swait.ge [sflag:s15], $0x2000  }
.Ltmp0:
0x31: {  	[sflag:s15] =	ssyncset.done $0x0;
	(pc) =	sbr.rel @p0 .LBB2_2-.Ltmp0, $4  }
0x32: {  	s20 =	sadd.s32 s20, s9;
	[sflag:s15] =	ssyncadd.s32 $0xFFFFE000  }
0x33: {  	[hbm4b:s20+s2] =	stream.linear.scatter [tilespmem:s13], [sflag:$0x3], $0x2000, $0x38;
	[tilespmem:$0x5900] =	vst v63  }
0x34: {  	_ =	swait.ge [sflag:s10], $0x2000  }
0x35: {  	[sflag:s10] =	ssyncset.done $0x0  }
0x36: {  	[sflag:s10] =	ssyncadd.s32 $0xFFFFE000  }
0x37: {  	[tilespmem:s13], [sflag:$0x2] =	stream.indirect.gather [hbm4b:s3+s12], $0x40, s16, s12, $0xb8;
	[tilespmem:$0x5900] =	vst v63  }
0x38: {  	_ =	swait.ge [sflag:s14], $0x2000  }
0x39: {  	[sflag:s14] =	ssyncset.done $0x0  }
0x3a: {  	[sflag:s14] =	ssyncadd.s32 $0xFFFFE000  }
0x3b: {  	[hbm4b:s6+s2] =	stream.linear.scatter [tilespmem:s11], [sflag:$0x3], $0x2000, $0x38;
	[tilespmem:$0x5900] =	vst v63  }
0x3c: {  	_ =	swait.ge [sflag:s10], $0x2000  }
0x3d: {  	[sflag:s10] =	ssyncset.done $0x0  }
0x3e: {  	[sflag:s10] =	ssyncadd.s32 $0xFFFFE000  }
0x3f: {  	s17 =	sadd.s32 $0x1, s17;
	_ =	swait.ge [sflag:s15], $0x2000  }
0x40: {  	p0 =	sne.s32 s17, s5;
	[sflag:s15] =	ssyncset.done $0x0  }
.Ltmp1:
0x41: {  	[sflag:s15] =	ssyncadd.s32 $0xFFFFE000;
	(pc) =	sbr.rel @p0 .LBB2_1-.Ltmp1, $4  }
0x42: {  	[hbm4b:s7+s2] =	stream.linear.scatter [tilespmem:s13], [sflag:$0x3], $0x2000, $0x38;
	[tilespmem:$0x5900] =	vst v63  }
0x43: {  	_ =	swait.ge [sflag:s10], $0x2000  }
0x44: {  	[sflag:s10] =	ssyncset.done $0x0  }
0x45: {  	[sflag:s10] =	ssyncadd.s32 $0xFFFFE000  }
0x46: {  	_ =	sfence.sel $0x180000  }
0x47: {  	[bflag:$0x0] =	sbarrier.arrive $0xFFFF  }
0x48: {  	p0 =	sne.s32 s0, $0x0;
	_ =	strace $0x90000047  }
0x49: {  	s0 =	sadd.s32 @!p0 $0x100000, s1;
	[bflag:$0x2] =	sbarrier.arrive $0xFFFF  }
0x4a: {  	[sflag:s0] =	ssyncadd.tile.s32 @!p0 $0x1;
	_ =	shalt  }
.Lfunc_end2:
_tile_overlayer_lowered:
.L_overlay_start_2:
0x4b: {  	(tag) =	ssettag $0x2  }
0x4c: {  	s0 =	rddreg [dreg:$0x0];
	s2 =	stileid.u32  }
0x4d: {  	s1 =	rddreg [dreg:$0x1];
	p0 =	sne.s32 s2, $0x0  }
0x4e: {  	s3 =	rddreg [dreg:$0x2];
	[bflag:$0x3] =	sbarrier.arrive $0xFFFF;
	s2 =	simm.s32 @!p0 $0x1C03  }
0x4f: {  	[timem:s3], [sflag:s2] =	dma.local @!p0 [hbm:s0], s1  }
0x50: {  	s0 =	simm.s32 @!p0 $0x3  }
0x51: {  	_ =	swait.ge @!p0 [sflag:s0], s1  }
0x52: {  	s1 =	ssub.s32 @!p0 $0x0, s1;
	[sflag:s0] =	ssyncset.done @!p0 $0x0  }
0x53: {  	[sflag:s0] =	ssyncadd.s32 @!p0 s1  }
0x54: {  	[bflag:$0x3] =	sbarrier.arrive $0xFFFF  }
0x55: {  	_ =	shalt  }

// kernel: sparse-core-data-format-call.cloned.1.call-start
scs
called_computation_lowered:
.L_overlay_start_0:
0x0: {  	s2 =	sld [smem:$0x3FD9]  }
0x1: {  	s3 =	sld [smem:$0x3FFE];
	_ =	sdelay $0x1  }
0x2: {  	s1 =	srdreg.scid  }
0x3: {  	s0 =	sand.u32 $0x1, s1  }
0x4: {  	s15 =	sshll.u32 s0, $0xA;
	s2 =	sadd.s32 s3, s2  }
0x5: {  	s2 =	sadd.s32 s2, s15  }
0x6: {  	[smem:$0x3FC3] =	sst s2  }
0x7: {  	_ = 	snop  }
0x8: {  	s2 =	sld [smem:$0x3FD0];
	_ =	sdelay $0x2  }
0x9: {  	s16 =	simm.s32 $0xA;
	s4 =	simm.s32 $0x10  }
0xa: {  	[smem:s4], [sflag:s16] =	dma.local [hbm:s2], $0x1  }
0xb: {  	_ =	swait.eq [sflag:s16], $0x1  }
0xc: {  	[sflag:s16] =	ssyncset.done $0x0  }
0xd: {  	[sflag:s16] =	ssyncadd.s32 $0xFFFFFFFF  }
0xe: {  	s17 =	sld [smem:$0x11];
	(tm) =	ssettm $0x1  }
0xf: {  	s18 =	sld [smem:$0x3FFB];
	_ =	sdelay $0x3  }
0x10: {  	_ =	strace s18  }
0x11: {  	s3 =	sld [smem:$0x3FFC];
	_ =	sdelay $0x3  }
0x12: {  	_ =	strace s3  }
0x13: {  	s3 =	sld [smem:$0x3FFD];
	_ =	sdelay $0x3  }
0x14: {  	_ =	strace s3  }
0x15: {  	_ =	strace $0x8FFFFFFF  }
0x16: {  	s19 =	sld [smem:$0x3FDB];
	_ =	sdelay $0x1  }
0x17: {  	s20 =	simm.s32 $_scs_section_size  }
0x18: {  	s5 =	simm.s32 $_size__tile_overlayer_lowered;
	s6 =	simm.s32 $_tile_overlayer_lowered  }
0x19: {  	s23 =	simm.s32 $0x1BFF;
	s22 =	sshll.u32 s6, $0x1;
	s3 =	sadd.s32 s20, s19  }
0x1a: {  	s7 =	simm.s32 $0x0;
	s21 =	sshll.u32 s5, $0x1;
	s5 =	sadd.s32 s22, s3  }
0x1b: {  	[timem:s7], [sflag:s23] =	dma.local [hbm:s5], s21  }
0x1c: {  	_ =	swait.ge [sflag:s23], s21  }
0x1d: {  	s4 =	ssub.s32 $0x0, s21;
	[sflag:s23] =	ssyncset.done $0x0  }
0x1e: {  	[sflag:s23] =	ssyncadd.s32 s4;
	_ =	sdelay $0x1  }
0x1f: {  	s24 =	simm.s32 $0x1B8B  }
0x20: {  	_ =	swait.ge [sflag:s24], $0x1  }
0x21: {  	[sflag:s24] =	ssyncset.done $0x0  }
0x22: {  	s26 =	simm.s32 $0x1B8E;
	s25 =	sld [smem:$0x3FFE];
	[sflag:s24] =	ssyncadd.s32 $0xFFFFFFFF  }
0x23: {  	s27 =	simm.s32 $execute0_lowered;
	[smem:$0x3FD2] =	sst s26  }
0x24: {  	s5 =	sshll.u32 s27, $0x1;
	_ =	strace $0x80000049;
	[dreg:$0x1] =	wrdreg $0xFFFFFFFF  }
0x25: {  	s28 =	simm.s32 $_size_execute0_lowered;
	s3 =	sadd.s32 s3, s5;
	[dreg:$0x0] =	wrdreg $0x0  }
0x26: {  	s5 =	sshll.u32 s28, $0x1;
	[dreg:$0x2] =	wrdreg s3  }
0x27: {  	[dreg:$0x3] =	wrdreg s5  }
0x28: {  	[dreg:$0x4] =	wrdreg $0xC0  }
0x29: {  	_ =	task [dreg:s7], $0x5FFFF  }
0x2a: {  	[dreg:$0x1] =	wrdreg $0xFFFFFFFF  }
0x2b: {  	[dreg:$0x0] =	wrdreg $0x60  }
0x2c: {  	[dreg:$0x2] =	wrdreg s25  }
0x2d: {  	[dreg:$0x3] =	wrdreg s17  }
0x2e: {  	[dreg:$0x4] =	wrdreg $0x9  }
0x2f: {  	_ =	task.clear_ibuf [dreg:s7], $0x5FFFF;
	_ =	strace $0x90000049  }
0x30: {  	s29 =	simm.s32 $0x9;
	_ =	strace $0x8000004B  }
0x31: {  	_ =	swait.ge [sflag:s29], $0x1  }
0x32: {  	[sflag:s29] =	ssyncadd.s32 $0xFFFFFFFF  }
0x33: {  	_ =	strace $0x9000004B  }
0x34: {  	_ =	sfence  }
0x35: {  	s30 =	sld [smem:$0x0];
	_ =	sdelay $0x2  }
0x36: {  	s31 =	sshll.u32 s1, $0xD;
	s1 =	sshrl.u32 s1, $0x2  }
0x37: {  	s3 =	sand.u32 $0x4000, s31;
	s1 =	sadd.s32 s1, s30  }
0x38: {  	s0 =	sor.u32 s3, s0;
	s1 =	sshll.u32 s1, $0x11  }
0x39: {  	s0 =	sor.u32 s1, s0  }
0x3a: {  	s0 =	sadd.s32 $0x8F2B, s0  }
0x3b: {  	[sflag:s0] =	ssyncadd.remote.s32 $0x1  }
0x3c: {  	_ =	sfence.sel $0xFFFF  }
0x3d: {  	[dreg:$0x0] =	wrdreg $0xFFFFFFFF;
	(pc) =	sbr.abs _section_cstart, $3  }
0x3e: {  	[dreg:$0x1] =	wrdreg $0xFFFFFFFF  }
0x3f: {  	_ =	task.clear_ibuf [dreg:s7], $0x2FFFF;
	_ =	strace $0x9FFFFFFF  }
0x40: {  	(tm) =	ssettm $0x7FFFFFFF  }
0x41: {  	_ =	shalt  }
tec
execute0_lowered:
.L_overlay_start_1:
0x0: {  	(tag) =	ssettag $0x1  }
0x1: {  	s0 =	stileid.u32;
	s6 =	rddreg [dreg:$0x0]  }
0x2: {  	s2 =	rddreg [dreg:$0x1];
	s5 =	srdreg.scid  }
0x3: {  	s31 =	simm.s32 $0x2;
	s13 =	simm.s32 $0x0;
	s1 =	sshll.u32 s0, $0x7  }
0x4: {  	s14 =	simm.s32 $0x0;
	s12 =	simm.s32 $0x0;
	s3 =	sand.u32 $0x380, s1  }
0x5: {  	s5 =	sshll.u32 s5, $0x4;
	s6 =	sadd.s32 $0xE200, s6;
	s4 =	ssub.s32 $0x400, s3  }
0x6: {  	s1 =	rddreg [dreg:$0x2];
	_ =	strace $0x8000004A;
	s7 =	sand.u32 $0x380, s4  }
0x7: {  	s5 =	sand.u32 $0x10, s5;
	p0 =	sne.s32 s7, $0x0;
	s7 =	simm.s32 $0x1  }
.Ltmp0:
0x8: {  	s8 =	sshrl.u32 s4, $0xA;
	s7 =	simm.s32 @!p0 $0x0;
	(pc) =	sbr.rel .LBB1_1-.Ltmp0, $4  }
0x9: {  	s9 =	sor.u32 s0, s5;
	s4 =	simm.s32 $0x1;
	s30 =	sadd.s32 s7, s8  }
0xa: {  	s11 =	smov.u32 s3;
	[sflag:s4] =	ssyncpa.u1 $0x0;
	s5 =	smul.u32 $0x32, s30  }
0xb: {  	[sflag:s31] =	ssyncpa.u1 $0x0;
	p0 =	por $0x0, $0x0;
	s7 =	sshrl.u32 s9, $0x3  }
0xc: {  	s9 =	simm.s32 $0x2000;
	s10 =	smov.u32 s7;
	s8 =	sor.u32 $0x1, s5  }
.LBB1_4:
0xd: {  	s17 =	sand.u32 $0x1F80, s14;
	s13 =	sshll.u32 s13, $0xD  }
0xe: {  	[tilespmem:s16+$0x810 ss:$0x81] =	vst.msk $0xffff, v2;
	s18 =	sshrl.u32 s14, $0x3;
	s31 =	sand.u32 $0x7, s14;
	s17 =	sadd.s32 s2, s17  }
0xf: {  	[tilespmem:s16+$0x1020 ss:$0x81] =	vst.msk $0xffff, v0;
	s18 =	sand.u32 $0xF, s18;
	s14 =	sshll.u32 s31, $0x12;
	s13 =	sadd.s32 s13, s17  }
0x10: {  	[tilespmem:s16+$0x0 ss:$0x81] =	vst.msk $0xffff, v1;
	s14 =	sor.u32 $0x400, s14;
	s13 =	sadd.s32 s18, s13  }
0x11: {  	[hbm4b:s13+s14] =	stream.strided.scatter [tilespmem:s15], [sflag:$0x2], $0x2000, s9, s14, $0x20;
	[tilespmem:$0x8080] =	vst v63  }
.LBB1_5:
0x12: {  	s15 =	sadd.s32 $0x4, s10  }
0x13: {  	s13 =	sadd.s32 $0x400, s11;
	s17 =	smov.u32 s11;
	p2 =	sgt.s32 s15, $0xC7  }
0x14: {  	s17 =	smov.u32 @p2 s13  }
0x15: {  	s15 =	smov.u32 @p2 s7;
	p2 =	sgt.s32 s17, $0x3FF  }
0x16: {  	s17 =	smov.u32 @p2 s3;
	p2 =	sne.s32 s12, s8  }
.Ltmp1:
0x17: {  	p1 =	slt.u32 s12, $0x2;
	(pc) =	sbr.rel @!p2 .LBB1_6-.Ltmp1, $4  }
0x18: {  	s16 =	simm.s32 @!p1 $0x2  }
0x19: {  	s14 =	smov.u32 s11;
	p0 =	por !p0, !p0;
	_ =	swait.ge @!p1 [sflag:s16], $0x2000  }
0x1a: {  	s13 =	smov.u32 s10;
	[sflag:s16] =	ssyncset.done @!p1 $0x0;
	s10 =	smov.u32 s15  }
0x1b: {  	s12 =	sadd.s32 $0x1, s12;
	[sflag:s16] =	ssyncadd.s32 @!p1 $0xFFFFE000;
	s11 =	smov.u32 s17  }
.LBB1_1:
0x1c: {  	p1 =	sge.u32 s12, s5  }
0x1d: {  	s15 =	sand.u32 @!p1 $0x1FFFFFF, s10  }
0x1e: {  	s16 =	smulhi.u32 @!p1 $0x147AE15, s15;
	_ =	sdelay $0x1  }
0x1f: {  	s16 =	smul.u32 @!p1 $0xC8, s16  }
0x20: {  	s17 =	sxor.u32 @!p1 $0xFFFFFFFF, s12;
	s18 =	smul.u32 @!p1 $0xC80, s11  }
0x21: {  	s31 =	sadd.s32 $0xFFFFFFFF, s12;
	s17 =	sshll.u32 @!p1 s17, $0xD;
	s15 =	ssub.s32 @!p1 s15, s16  }
0x22: {  	s16 =	sand.u32 @!p1 $0x2000, s17;
	s17 =	sadd.s32 @!p1 s6, s18;
	s15 =	sshll.u32 @!p1 s15, $0x4  }
0x23: {  	s18 =	simm.s32 @!p1 $0x6400;
	s15 =	sadd.s32 @!p1 s15, s17;
	s17 =	simm.s32 @!p1 $0x40  }
0x24: {  	[tilespmem:s16], [sflag:$0x1] =	stream.strided.gather @!p1 [hbm4b:s15+s17], $0x2000, s18, s17, $0x38;
	[tilespmem:$0x8080] =	vst v63  }
0x25: {  	p1 =	sge.u32 s31, s5  }
.Ltmp2:
0x26: {  	_ = 	snop;
	(pc) =	sbr.rel @p1 .LBB1_5-.Ltmp2, $1  }
0x27: {  	_ =	sdelay $0x3  }
0x28: {  	s15 =	simm.s32 $0x1  }
0x29: {  	_ =	swait.ge [sflag:s4], $0x2000;
	s15 =	simm.s32 @!p0 $0x0  }
0x2a: {  	[sflag:s4] =	ssyncset.done $0x0;
	s16 =	sshll.u32 s15, $0xD  }
0x2b: {  	[sflag:s4] =	ssyncadd.s32 $0xFFFFE000;
	s19 =	sor.u32 $0x20, s16  }
0x2c: {  	s15 =	smul.u32 $0x8100, s15;
	v3 =	vld [tilespmem:s19+$0x10]  }
0x2d: {  	s30 =	sand.u32 $0x1, s12;
	v2 =	vld [tilespmem:s19+$0xFFFFFFF0]  }
0x2e: {  	s16 =	smul.u32 $0x8100, s30;
	s15 =	sshrl.u32 s15, $0x2;
	v0 =	vld [tilespmem:s19+$0x0]  }
0x2f: {  	v1 =	vld [tilespmem:s19+$0xFFFFFFE0];
	s17 =	sor.u32 $0x4000, s15  }
0x30: {  	s31 =	sshrl.u32 s16, $0x2;
	s16 =	sadd.s32 $0x0, s17  }
0x31: {  	s18 =	simm.s32 $0x4;
	s19 =	sadd.s32 $0x40, s19;
	s15 =	sor.u32 $0x4000, s31;
	[tilespmem:s16+$0x1830 ss:$0x81] =	vst.msk $0xffff, v3  }
.LBB1_3:
0x32: {  	v3 =	vld [tilespmem:s19+$0x10];
	p1 =	sne.s32 s18, $0x1FC;
	[tilespmem:s16+$0x810 ss:$0x81] =	vst.msk $0xffff, v2;
	s20 =	smov.u32 s18;
	s18 =	sadd.s32 $0x4, s18  }
.Ltmp3:
0x33: {  	v2 =	vld [tilespmem:s19+$0xFFFFFFF0];
	[tilespmem:s16+$0x1020 ss:$0x81] =	vst.msk $0xffff, v0;
	(pc) =	sbr.rel @p1 .LBB1_3-.Ltmp3, $4  }
0x34: {  	v0 =	vld [tilespmem:s19+$0x0];
	[tilespmem:s16+$0x0 ss:$0x81] =	vst.msk $0xffff, v1  }
0x35: {  	s16 =	sshra.s32 s20, $0x2;
	v1 =	vld [tilespmem:s19+$0xFFFFFFE0]  }
0x36: {  	s16 =	sadd.s32 s16, s17  }
0x37: {  	s19 =	sadd.s32 $0x40, s19;
	[tilespmem:s16+$0x1830 ss:$0x81] =	vst.msk $0xffff, v3  }
.Ltmp4:
0x38: {  	_ = 	snop;
	(pc) =	sbr.rel .LBB1_4-.Ltmp4, $1  }
0x39: {  	_ =	sdelay $0x3  }
.LBB1_6:
0x3a: {  	_ =	sfence.sel $0x180000  }
0x3b: {  	s2 =	simm.s32 $0x1;
	[bflag:$0x0] =	sbarrier.arrive $0xFFFF  }
0x3c: {  	s31 =	simm.s32 $0x2;
	[sflag:s2] =	ssyncpa.u1 $0x1  }
0x3d: {  	[sflag:s31] =	ssyncpa.u1 $0x1  }
0x3e: {  	p0 =	sne.s32 s0, $0x0;
	_ =	strace $0x9000004A  }
0x3f: {  	s0 =	sadd.s32 @!p0 $0x100000, s1;
	[bflag:$0x2] =	sbarrier.arrive $0xFFFF  }
0x40: {  	[sflag:s0] =	ssyncadd.tile.s32 @!p0 $0x1;
	_ =	shalt  }
.Lfunc_end1:
_tile_overlayer_lowered:
.L_overlay_start_2:
0x41: {  	(tag) =	ssettag $0x2  }
0x42: {  	s0 =	rddreg [dreg:$0x0];
	s2 =	stileid.u32  }
0x43: {  	s1 =	rddreg [dreg:$0x1];
	p0 =	sne.s32 s2, $0x0  }
0x44: {  	s3 =	rddreg [dreg:$0x2];
	[bflag:$0x3] =	sbarrier.arrive $0xFFFF;
	s2 =	simm.s32 @!p0 $0x1C01  }
0x45: {  	[timem:s3], [sflag:s2] =	dma.local @!p0 [hbm:s0], s1  }
0x46: {  	s0 =	simm.s32 @!p0 $0x1  }
0x47: {  	_ =	swait.ge @!p0 [sflag:s0], s1  }
0x48: {  	s1 =	ssub.s32 @!p0 $0x0, s1;
	[sflag:s0] =	ssyncset.done @!p0 $0x0  }
0x49: {  	[sflag:s0] =	ssyncadd.s32 @!p0 s1  }
0x4a: {  	[bflag:$0x3] =	sbarrier.arrive $0xFFFF  }
0x4b: {  	_ =	shalt  }

</sc_bundles>
